<compile_context>
chip_gen: v7x
topology: tpu7x:2x2x1
jax: 0.10.2.dev20260603
libtpu: 0.0.44.dev20260713+nightly
codegen_flags: <defaults>
</compile_context>

<pallas_src>
import functools

import jax
import jax.numpy as jnp
from jax import lax
from jax.experimental import pallas as pl
from jax.experimental.pallas import tpu as pltpu
from jax.experimental.pallas import tpu_sc as plsc

_TEMP = 0.1
_SC_NC, _SC_NS = 2, 16
_NW = _SC_NC * _SC_NS
_AUG = 8
def _split(v):
    hi = v.astype(jnp.bfloat16)
    lo = (v - hi.astype(jnp.float32)).astype(jnp.bfloat16)
    return hi, lo


def _dot3(a, b_hi, b_lo):
    a_hi, a_lo = _split(a)
    d = jnp.dot(a_hi, b_hi, preferred_element_type=jnp.float32)
    d = d + jnp.dot(a_hi, b_lo, preferred_element_type=jnp.float32)
    return d + jnp.dot(a_lo, b_hi, preferred_element_type=jnp.float32)


def _prep_body(vq_ref, cn_ref, aug_ref):
    v = vq_ref[...]
    K = v.shape[0]
    norm = jnp.sqrt(jnp.sum(v * v, axis=1, keepdims=True))
    cn = v / jnp.maximum(norm, 1e-12)
    cn_ref[...] = cn
    cnT = cn.T
    cs = jnp.sum(cnT * cnT, axis=0, keepdims=True)
    aug = jnp.concatenate(
        [cnT, jnp.ones((1, K), jnp.float32), cs,
         jnp.zeros((_AUG - 2, K), jnp.float32)], axis=0)
    aug_ref[...] = aug


def _prep_code(vq):
    K, C = vq.shape
    return pl.pallas_call(
        _prep_body,
        out_shape=[
            jax.ShapeDtypeStruct((K, C), jnp.float32),
            jax.ShapeDtypeStruct((C + _AUG, K), jnp.float32),
        ],
    )(vq)


def _vq_body(x_ref, aug_ref, dist_ref, asgT_ref, idx_ref):
    K = aug_ref.shape[1]
    R = x_ref.shape[2]
    fl = x_ref[0].T
    norm = jnp.sqrt(jnp.sum(fl * fl, axis=1, keepdims=True))
    fln = fl / jnp.maximum(norm, 1e-12)
    fs = jnp.sum(fln * fln, axis=1, keepdims=True)
    a = jnp.concatenate(
        [fln * -2.0, fs, jnp.ones((R, 1), jnp.float32),
         jnp.zeros((R, _AUG - 2), jnp.float32)], axis=1)
    dist = jnp.dot(a, aug_ref[...], preferred_element_type=jnp.float32)
    dist_ref[...] = dist
    m = jnp.min(dist, axis=1, keepdims=True)
    idx_ref[0, 0] = jnp.argmin(dist, axis=1).astype(jnp.int32)
    t = (m - dist) * (1.4426950408889634 / _TEMP)
    e = jnp.exp2(t)
    p = jnp.exp2(t - jnp.log2(jnp.sum(e, axis=1, keepdims=True)))
    asgT_ref[0] = p.T


def _vq_call(xr, aug, batch):
    B, C, HW = xr.shape
    N = B * HW
    K = aug.shape[1]
    R = 128
    nblk = N // R
    per_b = HW // R
    return pl.pallas_call(
        _vq_body,
        grid=(nblk,),
        in_specs=[
            pl.BlockSpec((1, C, R), lambda i: (i // per_b, 0, i % per_b)),
            pl.BlockSpec((C + _AUG, K), lambda i: (0, 0)),
        ],
        out_specs=[
            pl.BlockSpec((R, K), lambda i: (i, 0)),
            pl.BlockSpec((1, K, R), lambda i: (i // per_b, 0, i % per_b)),
            pl.BlockSpec((1, 1, R), lambda i: (i, 0, 0)),
        ],
        out_shape=[
            jax.ShapeDtypeStruct((N, K), jnp.float32),
            jax.ShapeDtypeStruct((batch, K, HW), jnp.float32),
            jax.ShapeDtypeStruct((nblk, 1, R), jnp.int32),
        ],
    )(xr, aug)


def _sc_gather(code_n, idx):
    K, C = code_n.shape
    N = idx.shape[0]
    bpw = N // _NW
    mesh = plsc.VectorSubcoreMesh(core_axis_name="c", subcore_axis_name="s")

    @functools.partial(
        pl.kernel,
        mesh=mesh,
        out_type=jax.ShapeDtypeStruct((N, C), jnp.float32),
        scratch_types=[
            pltpu.VMEM((bpw,), jnp.int32),
            pltpu.VMEM((bpw, C), jnp.float32),
            pltpu.SemaphoreType.DMA,
        ],
    )
    def gk(table_hbm, idx_hbm, out_hbm, idx_v, rows_v, sem):
        wid = lax.axis_index("s") * _SC_NC + lax.axis_index("c")
        base = wid * bpw
        pltpu.sync_copy(idx_hbm.at[pl.ds(base, bpw)], idx_v)
        pltpu.async_copy(table_hbm.at[idx_v], rows_v, sem).wait()
        pltpu.sync_copy(rows_v, out_hbm.at[pl.ds(base, bpw)])

    return gk(code_n, idx)


def _conv3x3(x, w_ref, col):
    HW, Cin = x.shape
    acc = None
    for j in range(9):
        dy, dx = j // 3 - 1, j % 3 - 1
        s = 32 * dy + dx
        if s > 0:
            patch = jnp.concatenate([x[s:], jnp.zeros((s, Cin), jnp.float32)], axis=0)
        elif s < 0:
            patch = jnp.concatenate([jnp.zeros((-s, Cin), jnp.float32), x[: HW + s]], axis=0)
        else:
            patch = x
        if dx == 1:
            patch = jnp.where(col != 31, patch, 0.0)
        elif dx == -1:
            patch = jnp.where(col != 0, patch, 0.0)
        d = jnp.dot(patch, w_ref[j], preferred_element_type=jnp.float32)
        acc = d if acc is None else acc + d
    return acc


def _dec_body(q_ref, w0_ref, b0_ref, w11_ref, b11_ref, w12_ref, b12_ref,
              w21_ref, b21_ref, w22_ref, b22_ref, wf_ref, bf_ref,
              g_ref, beta_ref, out_ref, qx_ref):
    x = q_ref[0]
    qx_ref[0] = x.T
    col = lax.broadcasted_iota(jnp.int32, (x.shape[0], 1), 0) % 32
    h = _conv3x3(x, w0_ref, col) + b0_ref[...]
    for w1_ref, b1_ref, w2_ref, b2_ref in ((w11_ref, b11_ref, w12_ref, b12_ref),
                                           (w21_ref, b21_ref, w22_ref, b22_ref)):
        r = _conv3x3(jnp.maximum(h, 0.0), w1_ref, col) + b1_ref[...]
        r = _conv3x3(jnp.maximum(r, 0.0), w2_ref, col) + b2_ref[...]
        h = h + r
    y = jnp.dot(h, wf_ref[...], preferred_element_type=jnp.float32) + bf_ref[...]
    mu = jnp.mean(y, axis=1, keepdims=True)
    yc = y - mu
    var = jnp.mean(yc * yc, axis=1, keepdims=True)
    out_ref[0] = (yc / jnp.sqrt(var + 1e-6) * g_ref[...] + beta_ref[...]).T


def _dec_call(q, w0, b0, w11, b11, w12, b12, w21, b21, w22, b22, wf, bf, g, beta):
    B, HW, C = q.shape
    O = wf.shape[1]
    wspec = lambda a: pl.BlockSpec(a.shape, lambda i: (0,) * a.ndim)
    return pl.pallas_call(
        _dec_body,
        grid=(B,),
        in_specs=[pl.BlockSpec((1, HW, C), lambda i: (i, 0, 0))]
        + [wspec(a) for a in (w0, b0, w11, b11, w12, b12, w21, b21, w22, b22, wf, bf, g, beta)],
        out_specs=[
            pl.BlockSpec((1, O, HW), lambda i: (i, 0, 0)),
            pl.BlockSpec((1, C, HW), lambda i: (i, 0, 0)),
        ],
        out_shape=[
            jax.ShapeDtypeStruct((B, O, HW), jnp.float32),
            jax.ShapeDtypeStruct((B, C, HW), jnp.float32),
        ],
    )(q, w0, b0, w11, b11, w12, b12, w21, b21, w22, b22, wf, bf, g, beta)


def _wmat(w):
    return jnp.transpose(w, (2, 3, 1, 0)).reshape(9, w.shape[1], w.shape[0])


def kernel(x, vq, conv0_w, conv0_b, res1_w1, res1_b1, res1_w2, res1_b2,
           res2_w1, res2_b1, res2_w2, res2_b2, final_w, final_b, ln_g, ln_b,
           cur_iter):
    B, C, H, W = x.shape
    K = vq.shape[0]
    code_n, aug = _prep_code(vq)
    dist, asgT, idx3 = _vq_call(x.reshape(B, C, H * W), aug, B)
    idx = idx3.reshape(B * H * W)
    q = _sc_gather(code_n, idx)
    assignment = asgT.reshape(B, K, H, W)
    recon_t, qx_t = _dec_call(
        q.reshape(B, H * W, C),
        _wmat(conv0_w), conv0_b[None],
        _wmat(res1_w1), res1_b1[None], _wmat(res1_w2), res1_b2[None],
        _wmat(res2_w1), res2_b1[None], _wmat(res2_w2), res2_b2[None],
        final_w.reshape(final_w.shape[0], C).T, final_b[None],
        ln_g[None], ln_b[None],
    )
    qx = qx_t.reshape(B, C, H, W)
    recon = recon_t.reshape(B, final_w.shape[0], H, W)
    return (qx, assignment, dist, recon)

# --- scband reference (transcript-rebuilt; emitter-appended) ---
"""Pipeline reference for scband-bob-87600152969626 (READ-ONLY COPY).

The authoritative reference and input builder live on the scoring server;
editing this copy changes nothing except your own understanding.
"""

import jax, jax.numpy as jnp
import numpy as np
from jax import lax


def _conv2d(x, w, b):
    out = lax.conv_general_dilated(x, w, window_strides=(1, 1), padding='SAME',
                                   dimension_numbers=('NCHW', 'OIHW', 'NCHW'))
    return out + b[None, :, None, None]


def setup_inputs(seed: int = 0) -> dict:
    key = jax.random.key(seed)
    ks = jax.random.split(key, 20)
    B, C, H, W = 8, 256, 32, 32
    K = 8192
    ch, rch, outc = 256, 128, 384
    inp = {}
    inp['x'] = jax.random.normal(ks[0], (B, C, H, W), dtype=jnp.float32)
    inp['vq'] = jax.random.uniform(ks[1], (K, C), dtype=jnp.float32)
    inp['conv0_w'] = jax.random.normal(ks[2], (ch, C, 3, 3), dtype=jnp.float32) * 0.02
    inp['conv0_b'] = jnp.zeros((ch,), dtype=jnp.float32)
    inp['res1_w1'] = jax.random.normal(ks[3], (rch, ch, 3, 3), dtype=jnp.float32) * 0.02
    inp['res1_b1'] = jnp.zeros((rch,), dtype=jnp.float32)
    inp['res1_w2'] = jax.random.normal(ks[4], (ch, rch, 3, 3), dtype=jnp.float32) * 0.02
    inp['res1_b2'] = jnp.zeros((ch,), dtype=jnp.float32)
    inp['res2_w1'] = jax.random.normal(ks[5], (rch, ch, 3, 3), dtype=jnp.float32) * 0.02
    inp['res2_b1'] = jnp.zeros((rch,), dtype=jnp.float32)
    inp['res2_w2'] = jax.random.normal(ks[6], (ch, rch, 3, 3), dtype=jnp.float32) * 0.02
    inp['res2_b2'] = jnp.zeros((ch,), dtype=jnp.float32)
    inp['final_w'] = jax.random.normal(ks[7], (outc, ch, 1, 1), dtype=jnp.float32) * 0.02
    inp['final_b'] = jnp.zeros((outc,), dtype=jnp.float32)
    inp['ln_g'] = jnp.ones((outc,), dtype=jnp.float32)
    inp['ln_b'] = jnp.zeros((outc,), dtype=jnp.float32)
    inp['cur_iter'] = 100
    return inp


def reference(x, vq, conv0_w, conv0_b, res1_w1, res1_b1, res1_w2, res1_b2,
              res2_w1, res2_b1, res2_w2, res2_b2, final_w, final_b, ln_g, ln_b, cur_iter):
    temperature = 0.1
    B, C, H, W = x.shape
    K = vq.shape[0]
    # _vector_quantize (normalize=True, is_weight_sum=False)
    feat = jnp.transpose(x, (0, 2, 3, 1))
    flat = feat.reshape(-1, C)
    flat_n = flat / jnp.maximum(jnp.linalg.norm(flat, axis=1, keepdims=True), 1e-12)
    code = vq / jnp.maximum(jnp.linalg.norm(vq, axis=1, keepdims=True), 1e-12)
    distance = (jnp.sum(flat_n ** 2, axis=1, keepdims=True)
                + jnp.sum(code ** 2, axis=1)
                - 2.0 * (flat_n @ code.T))
    idx = jnp.argmin(distance, axis=1)
    enc = jax.nn.one_hot(idx, K, dtype=flat.dtype)
    q = (enc @ code).reshape(B, H, W, C)
    # straight-through estimator
    q = feat + jax.lax.stop_gradient(q - feat)
    qx = jnp.transpose(q, (0, 3, 1, 2))
    prob = jax.nn.softmax(-distance / temperature, axis=1)
    assignment = jnp.transpose(prob.reshape(B, H, W, K), (0, 3, 1, 2))
    # BOB_decoder (prenorm=False): conv3x3 -> 2 ResBlocks -> 1x1 conv -> channel-last LayerNorm
    h = _conv2d(qx, conv0_w, conv0_b)
    for (w1, b1, w2, b2) in ((res1_w1, res1_b1, res1_w2, res1_b2),
                             (res2_w1, res2_b1, res2_w2, res2_b2)):
        r = _conv2d(jax.nn.relu(h), w1, b1)
        r = _conv2d(jax.nn.relu(r), w2, b2)
        h = h + r
    out = _conv2d(h, final_w, final_b)
    y = jnp.transpose(out, (0, 2, 3, 1))
    mu = jnp.mean(y, axis=-1, keepdims=True)
    var = jnp.var(y, axis=-1, keepdims=True)
    y = (y - mu) / jnp.sqrt(var + 1e-6) * ln_g + ln_b
    recon = jnp.transpose(y, (0, 3, 1, 2))
    return (qx, assignment, distance, recon)

if __name__ == "__main__":
    import jax
    _d = setup_inputs()
    print(jax.jit(kernel)(*tuple(_d.values())))

</pallas_src>

<mosaic_0001>
#map = affine_map<(d0, d1) -> (0, 0)>
#map1 = affine_map<(d0, d1) -> (0)>
module attributes {stable_mosaic.version = 14 : i64} {
  func.func @gk(%arg0: i32, %arg1: i32, %arg2: memref<8192x256xf32, #tpu.memory_space<hbm>>, %arg3: memref<8192xi32, #tpu.memory_space<hbm>>, %arg4: memref<8192x256xf32, #tpu.memory_space<hbm>>, %arg5: memref<256xi32, #tpu.memory_space<vmem>>, %arg6: memref<256x256xf32, #tpu.memory_space<vmem>>, %arg7: memref<!tpu.dma_semaphore, #tpu.memory_space<semaphore_mem>>) attributes {dimension_semantics = [#tpu.dimension_semantics<core_parallel>, #tpu.dimension_semantics<subcore_parallel>], iteration_bounds = array<i64: 2, 16>, scalar_prefetch = 0 : i64, scratch_operands = 3 : i64, tpu.core_type = #tpu.core_type<sc_vector_subcore>, window_params = [{transform_indices = #map}, {transform_indices = #map1}, {transform_indices = #map}]} {
    %mul3A = arith.constant 2 : i32
    %mul3A_0 = arith.muli %arg1, %mul3A : i32
    %add3A = arith.addi %mul3A_0, %arg0 : i32
    %mul3A_1 = arith.constant 256 : i32
    %mul3A_2 = arith.muli %add3A, %mul3A_1 : i32
    "tpu.region"() ({
      %run_scoped3A = tpu.sem_alloc : memref<!tpu.dma_semaphore, #tpu.memory_space<semaphore_mem>>
      %dma_start3A_7 = tpu.memref_slice %arg3[%mul3A_2] : memref<8192xi32, #tpu.memory_space<hbm>> -> memref<256xi32, #tpu.memory_space<hbm>>
      %dma_start3A_8 = tpu.memref_slice %arg3[%mul3A_2] : memref<8192xi32, #tpu.memory_space<hbm>> -> memref<256xi32, #tpu.memory_space<hbm>>
      tpu.enqueue_dma source(%dma_start3A_8 : memref<256xi32, #tpu.memory_space<hbm>>) target(%arg5 : memref<256xi32, #tpu.memory_space<vmem>>) target_semaphore(%run_scoped3A : memref<!tpu.dma_semaphore, #tpu.memory_space<semaphore_mem>>)
      %dma_wait3A_9 = tpu.memref_slice %arg3[%mul3A_2] : memref<8192xi32, #tpu.memory_space<hbm>> -> memref<256xi32, #tpu.memory_space<hbm>>
      %dma_wait3A_10 = tpu.memref_slice %arg3[%mul3A_2] : memref<8192xi32, #tpu.memory_space<hbm>> -> memref<256xi32, #tpu.memory_space<hbm>>
      tpu.wait_dma2 semaphore(%run_scoped3A : memref<!tpu.dma_semaphore, #tpu.memory_space<semaphore_mem>>) src(%dma_wait3A_10 : memref<256xi32, #tpu.memory_space<hbm>>) dst(%arg5 : memref<256xi32, #tpu.memory_space<vmem>>)
      tpu.yield
    }) : () -> ()
    %dma_start3A = arith.constant 0 : i32
    %dma_start3A_3 = arith.constant 0 : i32
    %dma_start3A_4 = tpu.memref_slice %arg2[%dma_start3A, %dma_start3A_3] : memref<8192x256xf32, #tpu.memory_space<hbm>> -> memref<8192x256xf32, #tpu.memory_space<hbm>>
    tpu.enqueue_indirect_dma source(%dma_start3A_4 : memref<8192x256xf32, #tpu.memory_space<hbm>>) target(%arg6 : memref<256x256xf32, #tpu.memory_space<vmem>>) offsets(%arg5 : memref<256xi32, #tpu.memory_space<vmem>>) semaphore(%arg7 : memref<!tpu.dma_semaphore, #tpu.memory_space<semaphore_mem>>)
    %dma_wait3A = arith.constant 0 : i32
    %dma_wait3A_5 = arith.constant 0 : i32
    %dma_wait3A_6 = tpu.memref_slice %arg2[%dma_wait3A, %dma_wait3A_5] : memref<8192x256xf32, #tpu.memory_space<hbm>> -> memref<8192x256xf32, #tpu.memory_space<hbm>>
    tpu.wait_indirect_dma semaphore(%arg7 : memref<!tpu.dma_semaphore, #tpu.memory_space<semaphore_mem>>) src(%dma_wait3A_6 : memref<8192x256xf32, #tpu.memory_space<hbm>>) dst(%arg6 : memref<256x256xf32, #tpu.memory_space<vmem>>)
    "tpu.region"() ({
      %run_scoped3A = tpu.sem_alloc : memref<!tpu.dma_semaphore, #tpu.memory_space<semaphore_mem>>
      %dma_start3A_7 = arith.constant 0 : i32
      %dma_start3A_8 = tpu.memref_slice %arg4[%mul3A_2, %dma_start3A_7] : memref<8192x256xf32, #tpu.memory_space<hbm>> -> memref<256x256xf32, #tpu.memory_space<hbm>>
      %dma_start3A_9 = arith.constant 0 : i32
      %dma_start3A_10 = tpu.memref_slice %arg4[%mul3A_2, %dma_start3A_9] : memref<8192x256xf32, #tpu.memory_space<hbm>> -> memref<256x256xf32, #tpu.memory_space<hbm>>
      tpu.enqueue_dma source(%arg6 : memref<256x256xf32, #tpu.memory_space<vmem>>) target(%dma_start3A_10 : memref<256x256xf32, #tpu.memory_space<hbm>>) target_semaphore(%run_scoped3A : memref<!tpu.dma_semaphore, #tpu.memory_space<semaphore_mem>>)
      %dma_wait3A_11 = arith.constant 0 : i32
      %dma_wait3A_12 = tpu.memref_slice %arg4[%mul3A_2, %dma_wait3A_11] : memref<8192x256xf32, #tpu.memory_space<hbm>> -> memref<256x256xf32, #tpu.memory_space<hbm>>
      %dma_wait3A_13 = arith.constant 0 : i32
      %dma_wait3A_14 = tpu.memref_slice %arg4[%mul3A_2, %dma_wait3A_13] : memref<8192x256xf32, #tpu.memory_space<hbm>> -> memref<256x256xf32, #tpu.memory_space<hbm>>
      tpu.wait_dma2 semaphore(%run_scoped3A : memref<!tpu.dma_semaphore, #tpu.memory_space<semaphore_mem>>) src(%arg6 : memref<256x256xf32, #tpu.memory_space<vmem>>) dst(%dma_wait3A_14 : memref<256x256xf32, #tpu.memory_space<hbm>>)
      tpu.yield
    }) : () -> ()
    return
  }
}

module attributes {stable_mosaic.version = 14 : i64} {
  func.func @_prep_body(%arg0: memref<8192x256xf32, #tpu.memory_space<vmem>>, %arg1: memref<8192x256xf32, #tpu.memory_space<vmem>>, %arg2: memref<264x8192xf32, #tpu.memory_space<vmem>>) attributes {dimension_semantics = [], scalar_prefetch = 0 : i64, scratch_operands = 0 : i64, tpu.core_type = #tpu.core_type<tc>} {
    %get3A = arith.constant 0 : index
    %get3A_0 = arith.constant 0 : index
    %get3A_1 = vector.load %arg0[%get3A, %get3A_0] : memref<8192x256xf32, #tpu.memory_space<vmem>>, vector<8192x256xf32>
    %mul3A = arith.mulf %get3A_1, %get3A_1 : vector<8192x256xf32>
    %reduce_sum3A = arith.constant dense<0.000000e+00> : vector<8192xf32>
    %reduce_sum3A_2 = vector.multi_reduction <add>, %mul3A, %reduce_sum3A [1] : vector<8192x256xf32> to vector<8192xf32>
    %broadcast_in_dim3A = vector.shape_cast %reduce_sum3A_2 : vector<8192xf32> to vector<8192x1xf32>
    %sqrt3A = math.sqrt %broadcast_in_dim3A : vector<8192x1xf32>
    %max3A = arith.constant 9.99999996E-13 : f32
    %max3A_3 = vector.broadcast %max3A : f32 to vector<8192x1xf32>
    %max3A_4 = arith.maximumf %sqrt3A, %max3A_3 : vector<8192x1xf32>
    %div3A = vector.broadcast %max3A_4 : vector<8192x1xf32> to vector<8192x256xf32>
    %div3A_5 = arith.divf %get3A_1, %div3A : vector<8192x256xf32>
    %swap3A = arith.constant 0 : index
    %swap3A_6 = arith.constant 0 : index
    %swap3A_7 = vector.load %arg1[%swap3A, %swap3A_6] : memref<8192x256xf32, #tpu.memory_space<vmem>>, vector<8192x256xf32>
    tpu.vector_store %arg1[%swap3A, %swap3A_6], %div3A_5 {strides = array<i32>} : memref<8192x256xf32, #tpu.memory_space<vmem>>, vector<8192x256xf32>,
    %transpose3A = tpu.transpose %div3A_5, [1, 0] : vector<8192x256xf32> -> vector<256x8192xf32>
    %mul3A_8 = arith.mulf %transpose3A, %transpose3A : vector<256x8192xf32>
    %reduce_sum3A_9 = arith.constant dense<0.000000e+00> : vector<8192xf32>
    %reduce_sum3A_10 = vector.multi_reduction <add>, %mul3A_8, %reduce_sum3A_9 [0] : vector<256x8192xf32> to vector<8192xf32>
    %broadcast_in_dim3A_11 = vector.shape_cast %reduce_sum3A_10 : vector<8192xf32> to vector<1x8192xf32>
    %broadcast_in_dim3A_12 = arith.constant 1.000000e+00 : f32
    %broadcast_in_dim3A_13 = vector.broadcast %broadcast_in_dim3A_12 : f32 to vector<1x8192xf32>
    %broadcast_in_dim3A_14 = arith.constant 0.000000e+00 : f32
    %broadcast_in_dim3A_15 = vector.broadcast %broadcast_in_dim3A_14 : f32 to vector<6x8192xf32>
    %concatenate3A = tpu.concatenate %transpose3A, %broadcast_in_dim3A_13, %broadcast_in_dim3A_11, %broadcast_in_dim3A_15 in 0 : vector<256x8192xf32>, vector<1x8192xf32>, vector<1x8192xf32>, vector<6x8192xf32> -> vector<264x8192xf32>
    %swap3A_16 = arith.constant 0 : index
    %swap3A_17 = arith.constant 0 : index
    %swap3A_18 = vector.load %arg2[%swap3A_16, %swap3A_17] : memref<264x8192xf32, #tpu.memory_space<vmem>>, vector<264x8192xf32>
    tpu.vector_store %arg2[%swap3A_16, %swap3A_17], %concatenate3A {strides = array<i32>} : memref<264x8192xf32, #tpu.memory_space<vmem>>, vector<264x8192xf32>,
    return
  }
}

module attributes {stable_mosaic.version = 14 : i64} {
  func.func @_vq_body(%arg0: i32, %arg1: memref<1x256x128xf32, #tpu.memory_space<vmem>>, %arg2: memref<264x8192xf32, #tpu.memory_space<vmem>>, %arg3: memref<128x8192xf32, #tpu.memory_space<vmem>>, %arg4: memref<1x8192x128xf32, #tpu.memory_space<vmem>>, %arg5: memref<1x1x128xi32, #tpu.memory_space<vmem>>) attributes {dimension_semantics = [#tpu.dimension_semantics<arbitrary>], iteration_bounds = array<i64: 64>, scalar_prefetch = 0 : i64, scratch_operands = 0 : i64, tpu.core_type = #tpu.core_type<tc>, window_params = [{transform_indices = @transform_0, window_bounds = array<i64: 1, 256, 128>}, {pipeline_mode = #tpu.pipeline_mode<synchronous>, transform_indices = @transform_1, window_bounds = array<i64: 264, 8192>}, {transform_indices = @transform_2, window_bounds = array<i64: 128, 8192>}, {transform_indices = @transform_3, window_bounds = array<i64: 1, 8192, 128>}, {transform_indices = @transform_4, window_bounds = array<i64: 1, 1, 128>}]} {
    %get3A = arith.constant 0 : index
    %get3A_0 = arith.constant 0 : index
    %get3A_1 = arith.constant 0 : index
    %get3A_2 = vector.load %arg1[%get3A, %get3A_0, %get3A_1] : memref<1x256x128xf32, #tpu.memory_space<vmem>>, vector<1x256x128xf32>
    %get3A_3 = vector.shape_cast %get3A_2 : vector<1x256x128xf32> to vector<256x128xf32>
    %transpose3A = tpu.transpose %get3A_3, [1, 0] : vector<256x128xf32> -> vector<128x256xf32>
    %mul3A = arith.mulf %transpose3A, %transpose3A : vector<128x256xf32>
    %reduce_sum3A = arith.constant dense<0.000000e+00> : vector<128xf32>
    %reduce_sum3A_4 = vector.multi_reduction <add>, %mul3A, %reduce_sum3A [1] : vector<128x256xf32> to vector<128xf32>
    %broadcast_in_dim3A = vector.shape_cast %reduce_sum3A_4 : vector<128xf32> to vector<128x1xf32>
    %sqrt3A = math.sqrt %broadcast_in_dim3A : vector<128x1xf32>
    %max3A = arith.constant 9.99999996E-13 : f32
    %max3A_5 = vector.broadcast %max3A : f32 to vector<128x1xf32>
    %max3A_6 = arith.maximumf %sqrt3A, %max3A_5 : vector<128x1xf32>
    %div3A = vector.broadcast %max3A_6 : vector<128x1xf32> to vector<128x256xf32>
    %div3A_7 = arith.divf %transpose3A, %div3A : vector<128x256xf32>
    %mul3A_8 = arith.mulf %div3A_7, %div3A_7 : vector<128x256xf32>
    %reduce_sum3A_9 = arith.constant dense<0.000000e+00> : vector<128xf32>
    %reduce_sum3A_10 = vector.multi_reduction <add>, %mul3A_8, %reduce_sum3A_9 [1] : vector<128x256xf32> to vector<128xf32>
    %broadcast_in_dim3A_11 = vector.shape_cast %reduce_sum3A_10 : vector<128xf32> to vector<128x1xf32>
    %mul3A_12 = arith.constant -2.000000e+00 : f32
    %mul3A_13 = vector.broadcast %mul3A_12 : f32 to vector<128x256xf32>
    %mul3A_14 = arith.mulf %div3A_7, %mul3A_13 : vector<128x256xf32>
    %broadcast_in_dim3A_15 = arith.constant 1.000000e+00 : f32
    %broadcast_in_dim3A_16 = vector.broadcast %broadcast_in_dim3A_15 : f32 to vector<128x1xf32>
    %broadcast_in_dim3A_17 = arith.constant 0.000000e+00 : f32
    %broadcast_in_dim3A_18 = vector.broadcast %broadcast_in_dim3A_17 : f32 to vector<128x6xf32>
    %concatenate3A = tpu.concatenate %mul3A_14, %broadcast_in_dim3A_11, %broadcast_in_dim3A_16, %broadcast_in_dim3A_18 in 1 : vector<128x256xf32>, vector<128x1xf32>, vector<128x1xf32>, vector<128x6xf32> -> vector<128x264xf32>
    %get3A_19 = arith.constant 0 : index
    %get3A_20 = arith.constant 0 : index
    %get3A_21 = vector.load %arg2[%get3A_19, %get3A_20] : memref<264x8192xf32, #tpu.memory_space<vmem>>, vector<264x8192xf32>
    %dot_general3A = arith.constant dense<0.000000e+00> : vector<128x8192xf32>
    %dot_general3A_22 = tpu.matmul %concatenate3A, %get3A_21, %dot_general3A {dimension_numbers = #tpu.dot_dimension_numbers<[1], [0], [0], [1], [0, 0, 1, 1], [], []>, transpose_lhs_hint = false} : vector<128x264xf32>, vector<264x8192xf32>, vector<128x8192xf32> -> vector<128x8192xf32>
    %swap3A = arith.constant 0 : index
    %swap3A_23 = arith.constant 0 : index
    %swap3A_24 = vector.load %arg3[%swap3A, %swap3A_23] : memref<128x8192xf32, #tpu.memory_space<vmem>>, vector<128x8192xf32>
    tpu.vector_store %arg3[%swap3A, %swap3A_23], %dot_general3A_22 {strides = array<i32>} : memref<128x8192xf32, #tpu.memory_space<vmem>>, vector<128x8192xf32>,
    %reduce_min3A = arith.constant dense<0x7F800000> : vector<128xf32>
    %reduce_min3A_25 = vector.multi_reduction <minimumf>, %dot_general3A_22, %reduce_min3A [1] : vector<128x8192xf32> to vector<128xf32>
    %broadcast_in_dim3A_26 = vector.shape_cast %reduce_min3A_25 : vector<128xf32> to vector<128x1xf32>
    %argmin3A = tpu.reduce_index %dot_general3A_22 {axis = 1 : i32, kind = #tpu.reduction_kind<arg_min>} : vector<128x8192xf32> -> vector<128xi32>
    %swap3A_27 = arith.constant 0 : index
    %swap3A_28 = arith.constant 0 : index
    %swap3A_29 = arith.constant 0 : index
    %swap3A_30 = vector.load %arg5[%swap3A_27, %swap3A_28, %swap3A_29] : memref<1x1x128xi32, #tpu.memory_space<vmem>>, vector<1x1x128xi32>
    %swap3A_31 = vector.shape_cast %swap3A_30 : vector<1x1x128xi32> to vector<128xi32>
    %swap3A_32 = vector.shape_cast %argmin3A : vector<128xi32> to vector<1x1x128xi32>
    tpu.vector_store %arg5[%swap3A_27, %swap3A_28, %swap3A_29], %swap3A_32 {strides = array<i32>} : memref<1x1x128xi32, #tpu.memory_space<vmem>>, vector<1x1x128xi32>,
    %sub3A = vector.broadcast %broadcast_in_dim3A_26 : vector<128x1xf32> to vector<128x8192xf32>
    %sub3A_33 = arith.subf %sub3A, %dot_general3A_22 : vector<128x8192xf32>
    %mul3A_34 = arith.constant 14.4269505 : f32
    %mul3A_35 = vector.broadcast %mul3A_34 : f32 to vector<128x8192xf32>
    %mul3A_36 = arith.mulf %sub3A_33, %mul3A_35 : vector<128x8192xf32>
    %exp23A = math.exp2 %mul3A_36 : vector<128x8192xf32>
    %reduce_sum3A_37 = arith.constant dense<0.000000e+00> : vector<128xf32>
    %reduce_sum3A_38 = vector.multi_reduction <add>, %exp23A, %reduce_sum3A_37 [1] : vector<128x8192xf32> to vector<128xf32>
    %broadcast_in_dim3A_39 = vector.shape_cast %reduce_sum3A_38 : vector<128xf32> to vector<128x1xf32>
    %log3A = math.log %broadcast_in_dim3A_39 : vector<128x1xf32>
    %log3A_40 = arith.constant 2.000000e+00 : f32
    %log3A_41 = math.log %log3A_40 : f32
    %div3A_42 = vector.broadcast %log3A_41 : f32 to vector<128x1xf32>
    %div3A_43 = arith.divf %log3A, %div3A_42 : vector<128x1xf32>
    %sub3A_44 = vector.broadcast %div3A_43 : vector<128x1xf32> to vector<128x8192xf32>
    %sub3A_45 = arith.subf %mul3A_36, %sub3A_44 : vector<128x8192xf32>
    %exp23A_46 = math.exp2 %sub3A_45 : vector<128x8192xf32>
    %transpose3A_47 = tpu.transpose %exp23A_46, [1, 0] : vector<128x8192xf32> -> vector<8192x128xf32>
    %swap3A_48 = arith.constant 0 : index
    %swap3A_49 = arith.constant 0 : index
    %swap3A_50 = arith.constant 0 : index
    %swap3A_51 = vector.load %arg4[%swap3A_48, %swap3A_49, %swap3A_50] : memref<1x8192x128xf32, #tpu.memory_space<vmem>>, vector<1x8192x128xf32>
    %swap3A_52 = vector.shape_cast %swap3A_51 : vector<1x8192x128xf32> to vector<8192x128xf32>
    %swap3A_53 = vector.shape_cast %transpose3A_47 : vector<8192x128xf32> to vector<1x8192x128xf32>
    tpu.vector_store %arg4[%swap3A_48, %swap3A_49, %swap3A_50], %swap3A_53 {strides = array<i32>} : memref<1x8192x128xf32, #tpu.memory_space<vmem>>, vector<1x8192x128xf32>,
    return
  }
  func.func @transform_0(%arg0: i32) -> (i32, i32, i32) {
    %jit3A = arith.constant 8 : i32
    %div3A = arith.divsi %arg0, %jit3A : i32
    %sign3A = arith.constant 0 : i32
    %sign3A_0 = arith.cmpi sgt, %arg0, %sign3A : i32
    %sign3A_1 = arith.extui %sign3A_0 : i1 to i32
    %sign3A_2 = arith.constant 0 : i32
    %sign3A_3 = arith.cmpi slt, %arg0, %sign3A_2 : i32
    %sign3A_4 = arith.extui %sign3A_3 : i1 to i32
    %sign3A_5 = arith.subi %sign3A_1, %sign3A_4 : i32
    %sign3A_6 = arith.constant 0 : i32
    %sign3A_7 = arith.cmpi sgt, %jit3A, %sign3A_6 : i32
    %sign3A_8 = arith.extui %sign3A_7 : i1 to i32
    %sign3A_9 = arith.constant 0 : i32
    %sign3A_10 = arith.cmpi slt, %jit3A, %sign3A_9 : i32
    %sign3A_11 = arith.extui %sign3A_10 : i1 to i32
    %sign3A_12 = arith.subi %sign3A_8, %sign3A_11 : i32
    %ne3A = arith.cmpi ne, %sign3A_5, %sign3A_12 : i32
    %rem3A = arith.remsi %arg0, %jit3A : i32
    %ne3A_13 = arith.constant 0 : i32
    %ne3A_14 = arith.cmpi ne, %rem3A, %ne3A_13 : i32
    %and3A = arith.andi %ne3A, %ne3A_14 : i1
    %sub3A = arith.constant 1 : i32
    %sub3A_15 = arith.subi %div3A, %sub3A : i32
    %select_n3A = arith.select %and3A, %sub3A_15, %div3A : i32
    %jit3A_16 = arith.constant 8 : i32
    %eq3A = arith.constant 0 : i32
    %eq3A_17 = arith.cmpi eq, %jit3A_16, %eq3A : i32
    %jit3A_18 = arith.constant 1 : i32
    %select_n3A_19 = arith.select %eq3A_17, %jit3A_18, %jit3A_16 : i32
    %rem3A_20 = arith.remsi %arg0, %select_n3A_19 : i32
    %ne3A_21 = arith.constant 0 : i32
    %ne3A_22 = arith.cmpi ne, %rem3A_20, %ne3A_21 : i32
    %lt3A = arith.constant 0 : i32
    %lt3A_23 = arith.cmpi slt, %rem3A_20, %lt3A : i32
    %lt3A_24 = arith.constant 0 : i32
    %lt3A_25 = arith.cmpi slt, %select_n3A_19, %lt3A_24 : i32
    %ne3A_26 = arith.xori %lt3A_23, %lt3A_25 : i1
    %and3A_27 = arith.andi %ne3A_26, %ne3A_22 : i1
    %add3A = arith.addi %rem3A_20, %select_n3A_19 : i32
    %select_n3A_28 = arith.select %and3A_27, %add3A, %rem3A_20 : i32
    %c0_i32 = arith.constant 0 : i32
    %c0_i32_29 = arith.constant 0 : i32
    return %select_n3A, %c0_i32, %select_n3A_28 : i32, i32, i32
  }
  func.func @transform_1(%arg0: i32) -> (i32, i32) {
    %c0_i32 = arith.constant 0 : i32
    %c0_i32_0 = arith.constant 0 : i32
    %c0_i32_1 = arith.constant 0 : i32
    return %c0_i32, %c0_i32_0 : i32, i32
  }
  func.func @transform_2(%arg0: i32) -> (i32, i32) {
    %c0_i32 = arith.constant 0 : i32
    %c0_i32_0 = arith.constant 0 : i32
    return %arg0, %c0_i32 : i32, i32
  }
  func.func @transform_3(%arg0: i32) -> (i32, i32, i32) {
    %jit3A = arith.constant 8 : i32
    %div3A = arith.divsi %arg0, %jit3A : i32
    %sign3A = arith.constant 0 : i32
    %sign3A_0 = arith.cmpi sgt, %arg0, %sign3A : i32
    %sign3A_1 = arith.extui %sign3A_0 : i1 to i32
    %sign3A_2 = arith.constant 0 : i32
    %sign3A_3 = arith.cmpi slt, %arg0, %sign3A_2 : i32
    %sign3A_4 = arith.extui %sign3A_3 : i1 to i32
    %sign3A_5 = arith.subi %sign3A_1, %sign3A_4 : i32
    %sign3A_6 = arith.constant 0 : i32
    %sign3A_7 = arith.cmpi sgt, %jit3A, %sign3A_6 : i32
    %sign3A_8 = arith.extui %sign3A_7 : i1 to i32
    %sign3A_9 = arith.constant 0 : i32
    %sign3A_10 = arith.cmpi slt, %jit3A, %sign3A_9 : i32
    %sign3A_11 = arith.extui %sign3A_10 : i1 to i32
    %sign3A_12 = arith.subi %sign3A_8, %sign3A_11 : i32
    %ne3A = arith.cmpi ne, %sign3A_5, %sign3A_12 : i32
    %rem3A = arith.remsi %arg0, %jit3A : i32
    %ne3A_13 = arith.constant 0 : i32
    %ne3A_14 = arith.cmpi ne, %rem3A, %ne3A_13 : i32
    %and3A = arith.andi %ne3A, %ne3A_14 : i1
    %sub3A = arith.constant 1 : i32
    %sub3A_15 = arith.subi %div3A, %sub3A : i32
    %select_n3A = arith.select %and3A, %sub3A_15, %div3A : i32
    %jit3A_16 = arith.constant 8 : i32
    %eq3A = arith.constant 0 : i32
    %eq3A_17 = arith.cmpi eq, %jit3A_16, %eq3A : i32
    %jit3A_18 = arith.constant 1 : i32
    %select_n3A_19 = arith.select %eq3A_17, %jit3A_18, %jit3A_16 : i32
    %rem3A_20 = arith.remsi %arg0, %select_n3A_19 : i32
    %ne3A_21 = arith.constant 0 : i32
    %ne3A_22 = arith.cmpi ne, %rem3A_20, %ne3A_21 : i32
    %lt3A = arith.constant 0 : i32
    %lt3A_23 = arith.cmpi slt, %rem3A_20, %lt3A : i32
    %lt3A_24 = arith.constant 0 : i32
    %lt3A_25 = arith.cmpi slt, %select_n3A_19, %lt3A_24 : i32
    %ne3A_26 = arith.xori %lt3A_23, %lt3A_25 : i1
    %and3A_27 = arith.andi %ne3A_26, %ne3A_22 : i1
    %add3A = arith.addi %rem3A_20, %select_n3A_19 : i32
    %select_n3A_28 = arith.select %and3A_27, %add3A, %rem3A_20 : i32
    %c0_i32 = arith.constant 0 : i32
    %c0_i32_29 = arith.constant 0 : i32
    return %select_n3A, %c0_i32, %select_n3A_28 : i32, i32, i32
  }
  func.func @transform_4(%arg0: i32) -> (i32, i32, i32) {
    %c0_i32 = arith.constant 0 : i32
    %c0_i32_0 = arith.constant 0 : i32
    %c0_i32_1 = arith.constant 0 : i32
    return %arg0, %c0_i32, %c0_i32_0 : i32, i32, i32
  }
}

module attributes {stable_mosaic.version = 14 : i64} {
  func.func @_dec_body(%arg0: i32, %arg1: memref<1x1024x256xf32, #tpu.memory_space<vmem>>, %arg2: memref<9x256x256xf32, #tpu.memory_space<vmem>>, %arg3: memref<1x256xf32, #tpu.memory_space<vmem>>, %arg4: memref<9x256x128xf32, #tpu.memory_space<vmem>>, %arg5: memref<1x128xf32, #tpu.memory_space<vmem>>, %arg6: memref<9x128x256xf32, #tpu.memory_space<vmem>>, %arg7: memref<1x256xf32, #tpu.memory_space<vmem>>, %arg8: memref<9x256x128xf32, #tpu.memory_space<vmem>>, %arg9: memref<1x128xf32, #tpu.memory_space<vmem>>, %arg10: memref<9x128x256xf32, #tpu.memory_space<vmem>>, %arg11: memref<1x256xf32, #tpu.memory_space<vmem>>, %arg12: memref<256x384xf32, #tpu.memory_space<vmem>>, %arg13: memref<1x384xf32, #tpu.memory_space<vmem>>, %arg14: memref<1x384xf32, #tpu.memory_space<vmem>>, %arg15: memref<1x384xf32, #tpu.memory_space<vmem>>, %arg16: memref<1x384x1024xf32, #tpu.memory_space<vmem>>, %arg17: memref<1x256x1024xf32, #tpu.memory_space<vmem>>) attributes {dimension_semantics = [#tpu.dimension_semantics<arbitrary>], iteration_bounds = array<i64: 8>, scalar_prefetch = 0 : i64, scratch_operands = 0 : i64, tpu.core_type = #tpu.core_type<tc>, window_params = [{transform_indices = @transform_0, window_bounds = array<i64: 1, 1024, 256>}, {pipeline_mode = #tpu.pipeline_mode<synchronous>, transform_indices = @transform_1, window_bounds = array<i64: 9, 256, 256>}, {pipeline_mode = #tpu.pipeline_mode<synchronous>, transform_indices = @transform_2, window_bounds = array<i64: 1, 256>}, {pipeline_mode = #tpu.pipeline_mode<synchronous>, transform_indices = @transform_3, window_bounds = array<i64: 9, 256, 128>}, {pipeline_mode = #tpu.pipeline_mode<synchronous>, transform_indices = @transform_4, window_bounds = array<i64: 1, 128>}, {pipeline_mode = #tpu.pipeline_mode<synchronous>, transform_indices = @transform_5, window_bounds = array<i64: 9, 128, 256>}, {pipeline_mode = #tpu.pipeline_mode<synchronous>, transform_indices = @transform_6, window_bounds = array<i64: 1, 256>}, {pipeline_mode = #tpu.pipeline_mode<synchronous>, transform_indices = @transform_7, window_bounds = array<i64: 9, 256, 128>}, {pipeline_mode = #tpu.pipeline_mode<synchronous>, transform_indices = @transform_8, window_bounds = array<i64: 1, 128>}, {pipeline_mode = #tpu.pipeline_mode<synchronous>, transform_indices = @transform_9, window_bounds = array<i64: 9, 128, 256>}, {pipeline_mode = #tpu.pipeline_mode<synchronous>, transform_indices = @transform_10, window_bounds = array<i64: 1, 256>}, {pipeline_mode = #tpu.pipeline_mode<synchronous>, transform_indices = @transform_11, window_bounds = array<i64: 256, 384>}, {pipeline_mode = #tpu.pipeline_mode<synchronous>, transform_indices = @transform_12, window_bounds = array<i64: 1, 384>}, {pipeline_mode = #tpu.pipeline_mode<synchronous>, transform_indices = @transform_13, window_bounds = array<i64: 1, 384>}, {pipeline_mode = #tpu.pipeline_mode<synchronous>, transform_indices = @transform_14, window_bounds = array<i64: 1, 384>}, {transform_indices = @transform_15, window_bounds = array<i64: 1, 384, 1024>}, {transform_indices = @transform_16, window_bounds = array<i64: 1, 256, 1024>}]} {
    %get3A = arith.constant 0 : index
    %get3A_0 = arith.constant 0 : index
    %get3A_1 = arith.constant 0 : index
    %get3A_2 = vector.load %arg1[%get3A, %get3A_0, %get3A_1] : memref<1x1024x256xf32, #tpu.memory_space<vmem>>, vector<1x1024x256xf32>
    %get3A_3 = vector.shape_cast %get3A_2 : vector<1x1024x256xf32> to vector<1024x256xf32>
    %transpose3A = tpu.transpose %get3A_3, [1, 0] : vector<1024x256xf32> -> vector<256x1024xf32>
    %swap3A = arith.constant 0 : index
    %swap3A_4 = arith.constant 0 : index
    %swap3A_5 = arith.constant 0 : index
    %swap3A_6 = vector.load %arg17[%swap3A, %swap3A_4, %swap3A_5] : memref<1x256x1024xf32, #tpu.memory_space<vmem>>, vector<1x256x1024xf32>
    %swap3A_7 = vector.shape_cast %swap3A_6 : vector<1x256x1024xf32> to vector<256x1024xf32>
    %swap3A_8 = vector.shape_cast %transpose3A : vector<256x1024xf32> to vector<1x256x1024xf32>
    tpu.vector_store %arg17[%swap3A, %swap3A_4, %swap3A_5], %swap3A_8 {strides = array<i32>} : memref<1x256x1024xf32, #tpu.memory_space<vmem>>, vector<1x256x1024xf32>,
    %iota3A = tpu.iota {dimensions = array<i32: 0>} : vector<1024x1xi32>
    %jit3A = arith.constant 32 : i32
    %eq3A = arith.constant 0 : i32
    %eq3A_9 = arith.cmpi eq, %jit3A, %eq3A : i32
    %jit3A_10 = arith.constant 1 : i32
    %select_n3A = arith.select %eq3A_9, %jit3A_10, %jit3A : i32
    %rem3A = vector.broadcast %select_n3A : i32 to vector<1024x1xi32>
    %rem3A_11 = arith.remsi %iota3A, %rem3A : vector<1024x1xi32>
    %ne3A = arith.constant 0 : i32
    %ne3A_12 = vector.broadcast %ne3A : i32 to vector<1024x1xi32>
    %ne3A_13 = arith.cmpi ne, %rem3A_11, %ne3A_12 : vector<1024x1xi32>
    %lt3A = arith.constant 0 : i32
    %lt3A_14 = vector.broadcast %lt3A : i32 to vector<1024x1xi32>
    %lt3A_15 = arith.cmpi slt, %rem3A_11, %lt3A_14 : vector<1024x1xi32>
    %lt3A_16 = arith.constant 0 : i32
    %lt3A_17 = arith.cmpi slt, %select_n3A, %lt3A_16 : i32
    %ne3A_18 = vector.broadcast %lt3A_17 : i1 to vector<1024x1xi1>
    %ne3A_19 = vector.broadcast %ne3A_18 : vector<1024x1xi1> to vector<1024x1xi1>
    %ne3A_20 = arith.xori %lt3A_15, %ne3A_19 : vector<1024x1xi1>
    %and3A = arith.andi %ne3A_20, %ne3A_13 : vector<1024x1xi1>
    %add3A = vector.broadcast %select_n3A : i32 to vector<1024x1xi32>
    %add3A_21 = arith.addi %rem3A_11, %add3A : vector<1024x1xi32>
    %select_n3A_22 = arith.select %and3A, %add3A_21, %rem3A_11 : vector<1024x1xi1>, vector<1024x1xi32>
    %broadcast_in_dim3A = arith.constant 0.000000e+00 : f32
    %broadcast_in_dim3A_23 = vector.broadcast %broadcast_in_dim3A : f32 to vector<33x256xf32>
    %slice3A = vector.extract_strided_slice %get3A_3 {offsets = [0, 0], sizes = [991, 256], strides = [1, 1]} : vector<1024x256xf32> to vector<991x256xf32>
    %concatenate3A = tpu.concatenate %broadcast_in_dim3A_23, %slice3A in 0 : vector<33x256xf32>, vector<991x256xf32> -> vector<1024x256xf32>
    %ne3A_24 = arith.constant 0 : i32
    %ne3A_25 = vector.broadcast %ne3A_24 : i32 to vector<1024x1xi32>
    %ne3A_26 = arith.cmpi ne, %select_n3A_22, %ne3A_25 : vector<1024x1xi32>
    %jit3A_27 = arith.constant 0.000000e+00 : f32
    %broadcast_in_dim3A_28 = vector.shape_cast %ne3A_26 : vector<1024x1xi1> to vector<1024x1xi1>
    %broadcast_in_dim3A_29 = vector.broadcast %broadcast_in_dim3A_28 : vector<1024x1xi1> to vector<1024x256xi1>
    %broadcast_in_dim3A_30 = vector.broadcast %jit3A_27 : f32 to vector<1024x256xf32>
    %select_n3A_31 = arith.select %broadcast_in_dim3A_29, %concatenate3A, %broadcast_in_dim3A_30 : vector<1024x256xi1>, vector<1024x256xf32>
    %get3A_32 = arith.constant 0 : index
    %get3A_33 = arith.constant 0 : index
    %get3A_34 = arith.constant 0 : index
    %get3A_35 = vector.load %arg2[%get3A_32, %get3A_33, %get3A_34] : memref<9x256x256xf32, #tpu.memory_space<vmem>>, vector<1x256x256xf32>
    %get3A_36 = vector.shape_cast %get3A_35 : vector<1x256x256xf32> to vector<256x256xf32>
    %dot_general3A = arith.constant dense<0.000000e+00> : vector<1024x256xf32>
    %dot_general3A_37 = tpu.matmul %select_n3A_31, %get3A_36, %dot_general3A {dimension_numbers = #tpu.dot_dimension_numbers<[1], [0], [0], [1], [0, 0, 1, 1], [], []>, transpose_lhs_hint = false} : vector<1024x256xf32>, vector<256x256xf32>, vector<1024x256xf32> -> vector<1024x256xf32>
    %broadcast_in_dim3A_38 = arith.constant 0.000000e+00 : f32
    %broadcast_in_dim3A_39 = vector.broadcast %broadcast_in_dim3A_38 : f32 to vector<32x256xf32>
    %slice3A_40 = vector.extract_strided_slice %get3A_3 {offsets = [0, 0], sizes = [992, 256], strides = [1, 1]} : vector<1024x256xf32> to vector<992x256xf32>
    %concatenate3A_41 = tpu.concatenate %broadcast_in_dim3A_39, %slice3A_40 in 0 : vector<32x256xf32>, vector<992x256xf32> -> vector<1024x256xf32>
    %get3A_42 = arith.constant 1 : index
    %get3A_43 = arith.constant 0 : index
    %get3A_44 = arith.constant 0 : index
    %get3A_45 = vector.load %arg2[%get3A_42, %get3A_43, %get3A_44] : memref<9x256x256xf32, #tpu.memory_space<vmem>>, vector<1x256x256xf32>
    %get3A_46 = vector.shape_cast %get3A_45 : vector<1x256x256xf32> to vector<256x256xf32>
    %dot_general3A_47 = arith.constant dense<0.000000e+00> : vector<1024x256xf32>
    %dot_general3A_48 = tpu.matmul %concatenate3A_41, %get3A_46, %dot_general3A_47 {dimension_numbers = #tpu.dot_dimension_numbers<[1], [0], [0], [1], [0, 0, 1, 1], [], []>, transpose_lhs_hint = false} : vector<1024x256xf32>, vector<256x256xf32>, vector<1024x256xf32> -> vector<1024x256xf32>
    %add3A_49 = arith.addf %dot_general3A_37, %dot_general3A_48 : vector<1024x256xf32>
    %broadcast_in_dim3A_50 = arith.constant 0.000000e+00 : f32
    %broadcast_in_dim3A_51 = vector.broadcast %broadcast_in_dim3A_50 : f32 to vector<31x256xf32>
    %slice3A_52 = vector.extract_strided_slice %get3A_3 {offsets = [0, 0], sizes = [993, 256], strides = [1, 1]} : vector<1024x256xf32> to vector<993x256xf32>
    %concatenate3A_53 = tpu.concatenate %broadcast_in_dim3A_51, %slice3A_52 in 0 : vector<31x256xf32>, vector<993x256xf32> -> vector<1024x256xf32>
    %ne3A_54 = arith.constant 31 : i32
    %ne3A_55 = vector.broadcast %ne3A_54 : i32 to vector<1024x1xi32>
    %ne3A_56 = arith.cmpi ne, %select_n3A_22, %ne3A_55 : vector<1024x1xi32>
    %jit3A_57 = arith.constant 0.000000e+00 : f32
    %broadcast_in_dim3A_58 = vector.shape_cast %ne3A_56 : vector<1024x1xi1> to vector<1024x1xi1>
    %broadcast_in_dim3A_59 = vector.broadcast %broadcast_in_dim3A_58 : vector<1024x1xi1> to vector<1024x256xi1>
    %broadcast_in_dim3A_60 = vector.broadcast %jit3A_57 : f32 to vector<1024x256xf32>
    %select_n3A_61 = arith.select %broadcast_in_dim3A_59, %concatenate3A_53, %broadcast_in_dim3A_60 : vector<1024x256xi1>, vector<1024x256xf32>
    %get3A_62 = arith.constant 2 : index
    %get3A_63 = arith.constant 0 : index
    %get3A_64 = arith.constant 0 : index
    %get3A_65 = vector.load %arg2[%get3A_62, %get3A_63, %get3A_64] : memref<9x256x256xf32, #tpu.memory_space<vmem>>, vector<1x256x256xf32>
    %get3A_66 = vector.shape_cast %get3A_65 : vector<1x256x256xf32> to vector<256x256xf32>
    %dot_general3A_67 = arith.constant dense<0.000000e+00> : vector<1024x256xf32>
    %dot_general3A_68 = tpu.matmul %select_n3A_61, %get3A_66, %dot_general3A_67 {dimension_numbers = #tpu.dot_dimension_numbers<[1], [0], [0], [1], [0, 0, 1, 1], [], []>, transpose_lhs_hint = false} : vector<1024x256xf32>, vector<256x256xf32>, vector<1024x256xf32> -> vector<1024x256xf32>
    %add3A_69 = arith.addf %add3A_49, %dot_general3A_68 : vector<1024x256xf32>
    %broadcast_in_dim3A_70 = arith.constant 0.000000e+00 : f32
    %broadcast_in_dim3A_71 = vector.broadcast %broadcast_in_dim3A_70 : f32 to vector<1x256xf32>
    %slice3A_72 = vector.extract_strided_slice %get3A_3 {offsets = [0, 0], sizes = [1023, 256], strides = [1, 1]} : vector<1024x256xf32> to vector<1023x256xf32>
    %concatenate3A_73 = tpu.concatenate %broadcast_in_dim3A_71, %slice3A_72 in 0 : vector<1x256xf32>, vector<1023x256xf32> -> vector<1024x256xf32>
    %ne3A_74 = arith.constant 0 : i32
    %ne3A_75 = vector.broadcast %ne3A_74 : i32 to vector<1024x1xi32>
    %ne3A_76 = arith.cmpi ne, %select_n3A_22, %ne3A_75 : vector<1024x1xi32>
    %jit3A_77 = arith.constant 0.000000e+00 : f32
    %broadcast_in_dim3A_78 = vector.shape_cast %ne3A_76 : vector<1024x1xi1> to vector<1024x1xi1>
    %broadcast_in_dim3A_79 = vector.broadcast %broadcast_in_dim3A_78 : vector<1024x1xi1> to vector<1024x256xi1>
    %broadcast_in_dim3A_80 = vector.broadcast %jit3A_77 : f32 to vector<1024x256xf32>
    %select_n3A_81 = arith.select %broadcast_in_dim3A_79, %concatenate3A_73, %broadcast_in_dim3A_80 : vector<1024x256xi1>, vector<1024x256xf32>
    %get3A_82 = arith.constant 3 : index
    %get3A_83 = arith.constant 0 : index
    %get3A_84 = arith.constant 0 : index
    %get3A_85 = vector.load %arg2[%get3A_82, %get3A_83, %get3A_84] : memref<9x256x256xf32, #tpu.memory_space<vmem>>, vector<1x256x256xf32>
    %get3A_86 = vector.shape_cast %get3A_85 : vector<1x256x256xf32> to vector<256x256xf32>
    %dot_general3A_87 = arith.constant dense<0.000000e+00> : vector<1024x256xf32>
    %dot_general3A_88 = tpu.matmul %select_n3A_81, %get3A_86, %dot_general3A_87 {dimension_numbers = #tpu.dot_dimension_numbers<[1], [0], [0], [1], [0, 0, 1, 1], [], []>, transpose_lhs_hint = false} : vector<1024x256xf32>, vector<256x256xf32>, vector<1024x256xf32> -> vector<1024x256xf32>
    %add3A_89 = arith.addf %add3A_69, %dot_general3A_88 : vector<1024x256xf32>
    %get3A_90 = arith.constant 4 : index
    %get3A_91 = arith.constant 0 : index
    %get3A_92 = arith.constant 0 : index
    %get3A_93 = vector.load %arg2[%get3A_90, %get3A_91, %get3A_92] : memref<9x256x256xf32, #tpu.memory_space<vmem>>, vector<1x256x256xf32>
    %get3A_94 = vector.shape_cast %get3A_93 : vector<1x256x256xf32> to vector<256x256xf32>
    %dot_general3A_95 = arith.constant dense<0.000000e+00> : vector<1024x256xf32>
    %dot_general3A_96 = tpu.matmul %get3A_3, %get3A_94, %dot_general3A_95 {dimension_numbers = #tpu.dot_dimension_numbers<[1], [0], [0], [1], [0, 0, 1, 1], [], []>, transpose_lhs_hint = false} : vector<1024x256xf32>, vector<256x256xf32>, vector<1024x256xf32> -> vector<1024x256xf32>
    %add3A_97 = arith.addf %add3A_89, %dot_general3A_96 : vector<1024x256xf32>
    %slice3A_98 = vector.extract_strided_slice %get3A_3 {offsets = [1, 0], sizes = [1023, 256], strides = [1, 1]} : vector<1024x256xf32> to vector<1023x256xf32>
    %broadcast_in_dim3A_99 = arith.constant 0.000000e+00 : f32
    %broadcast_in_dim3A_100 = vector.broadcast %broadcast_in_dim3A_99 : f32 to vector<1x256xf32>
    %concatenate3A_101 = tpu.concatenate %slice3A_98, %broadcast_in_dim3A_100 in 0 : vector<1023x256xf32>, vector<1x256xf32> -> vector<1024x256xf32>
    %ne3A_102 = arith.constant 31 : i32
    %ne3A_103 = vector.broadcast %ne3A_102 : i32 to vector<1024x1xi32>
    %ne3A_104 = arith.cmpi ne, %select_n3A_22, %ne3A_103 : vector<1024x1xi32>
    %jit3A_105 = arith.constant 0.000000e+00 : f32
    %broadcast_in_dim3A_106 = vector.shape_cast %ne3A_104 : vector<1024x1xi1> to vector<1024x1xi1>
    %broadcast_in_dim3A_107 = vector.broadcast %broadcast_in_dim3A_106 : vector<1024x1xi1> to vector<1024x256xi1>
    %broadcast_in_dim3A_108 = vector.broadcast %jit3A_105 : f32 to vector<1024x256xf32>
    %select_n3A_109 = arith.select %broadcast_in_dim3A_107, %concatenate3A_101, %broadcast_in_dim3A_108 : vector<1024x256xi1>, vector<1024x256xf32>
    %get3A_110 = arith.constant 5 : index
    %get3A_111 = arith.constant 0 : index
    %get3A_112 = arith.constant 0 : index
    %get3A_113 = vector.load %arg2[%get3A_110, %get3A_111, %get3A_112] : memref<9x256x256xf32, #tpu.memory_space<vmem>>, vector<1x256x256xf32>
    %get3A_114 = vector.shape_cast %get3A_113 : vector<1x256x256xf32> to vector<256x256xf32>
    %dot_general3A_115 = arith.constant dense<0.000000e+00> : vector<1024x256xf32>
    %dot_general3A_116 = tpu.matmul %select_n3A_109, %get3A_114, %dot_general3A_115 {dimension_numbers = #tpu.dot_dimension_numbers<[1], [0], [0], [1], [0, 0, 1, 1], [], []>, transpose_lhs_hint = false} : vector<1024x256xf32>, vector<256x256xf32>, vector<1024x256xf32> -> vector<1024x256xf32>
    %add3A_117 = arith.addf %add3A_97, %dot_general3A_116 : vector<1024x256xf32>
    %slice3A_118 = vector.extract_strided_slice %get3A_3 {offsets = [31, 0], sizes = [993, 256], strides = [1, 1]} : vector<1024x256xf32> to vector<993x256xf32>
    %broadcast_in_dim3A_119 = arith.constant 0.000000e+00 : f32
    %broadcast_in_dim3A_120 = vector.broadcast %broadcast_in_dim3A_119 : f32 to vector<31x256xf32>
    %concatenate3A_121 = tpu.concatenate %slice3A_118, %broadcast_in_dim3A_120 in 0 : vector<993x256xf32>, vector<31x256xf32> -> vector<1024x256xf32>
    %ne3A_122 = arith.constant 0 : i32
    %ne3A_123 = vector.broadcast %ne3A_122 : i32 to vector<1024x1xi32>
    %ne3A_124 = arith.cmpi ne, %select_n3A_22, %ne3A_123 : vector<1024x1xi32>
    %jit3A_125 = arith.constant 0.000000e+00 : f32
    %broadcast_in_dim3A_126 = vector.shape_cast %ne3A_124 : vector<1024x1xi1> to vector<1024x1xi1>
    %broadcast_in_dim3A_127 = vector.broadcast %broadcast_in_dim3A_126 : vector<1024x1xi1> to vector<1024x256xi1>
    %broadcast_in_dim3A_128 = vector.broadcast %jit3A_125 : f32 to vector<1024x256xf32>
    %select_n3A_129 = arith.select %broadcast_in_dim3A_127, %concatenate3A_121, %broadcast_in_dim3A_128 : vector<1024x256xi1>, vector<1024x256xf32>
    %get3A_130 = arith.constant 6 : index
    %get3A_131 = arith.constant 0 : index
    %get3A_132 = arith.constant 0 : index
    %get3A_133 = vector.load %arg2[%get3A_130, %get3A_131, %get3A_132] : memref<9x256x256xf32, #tpu.memory_space<vmem>>, vector<1x256x256xf32>
    %get3A_134 = vector.shape_cast %get3A_133 : vector<1x256x256xf32> to vector<256x256xf32>
    %dot_general3A_135 = arith.constant dense<0.000000e+00> : vector<1024x256xf32>
    %dot_general3A_136 = tpu.matmul %select_n3A_129, %get3A_134, %dot_general3A_135 {dimension_numbers = #tpu.dot_dimension_numbers<[1], [0], [0], [1], [0, 0, 1, 1], [], []>, transpose_lhs_hint = false} : vector<1024x256xf32>, vector<256x256xf32>, vector<1024x256xf32> -> vector<1024x256xf32>
    %add3A_137 = arith.addf %add3A_117, %dot_general3A_136 : vector<1024x256xf32>
    %slice3A_138 = vector.extract_strided_slice %get3A_3 {offsets = [32, 0], sizes = [992, 256], strides = [1, 1]} : vector<1024x256xf32> to vector<992x256xf32>
    %broadcast_in_dim3A_139 = arith.constant 0.000000e+00 : f32
    %broadcast_in_dim3A_140 = vector.broadcast %broadcast_in_dim3A_139 : f32 to vector<32x256xf32>
    %concatenate3A_141 = tpu.concatenate %slice3A_138, %broadcast_in_dim3A_140 in 0 : vector<992x256xf32>, vector<32x256xf32> -> vector<1024x256xf32>
    %get3A_142 = arith.constant 7 : index
    %get3A_143 = arith.constant 0 : index
    %get3A_144 = arith.constant 0 : index
    %get3A_145 = vector.load %arg2[%get3A_142, %get3A_143, %get3A_144] : memref<9x256x256xf32, #tpu.memory_space<vmem>>, vector<1x256x256xf32>
    %get3A_146 = vector.shape_cast %get3A_145 : vector<1x256x256xf32> to vector<256x256xf32>
    %dot_general3A_147 = arith.constant dense<0.000000e+00> : vector<1024x256xf32>
    %dot_general3A_148 = tpu.matmul %concatenate3A_141, %get3A_146, %dot_general3A_147 {dimension_numbers = #tpu.dot_dimension_numbers<[1], [0], [0], [1], [0, 0, 1, 1], [], []>, transpose_lhs_hint = false} : vector<1024x256xf32>, vector<256x256xf32>, vector<1024x256xf32> -> vector<1024x256xf32>
    %add3A_149 = arith.addf %add3A_137, %dot_general3A_148 : vector<1024x256xf32>
    %slice3A_150 = vector.extract_strided_slice %get3A_3 {offsets = [33, 0], sizes = [991, 256], strides = [1, 1]} : vector<1024x256xf32> to vector<991x256xf32>
    %broadcast_in_dim3A_151 = arith.constant 0.000000e+00 : f32
    %broadcast_in_dim3A_152 = vector.broadcast %broadcast_in_dim3A_151 : f32 to vector<33x256xf32>
    %concatenate3A_153 = tpu.concatenate %slice3A_150, %broadcast_in_dim3A_152 in 0 : vector<991x256xf32>, vector<33x256xf32> -> vector<1024x256xf32>
    %ne3A_154 = arith.constant 31 : i32
    %ne3A_155 = vector.broadcast %ne3A_154 : i32 to vector<1024x1xi32>
    %ne3A_156 = arith.cmpi ne, %select_n3A_22, %ne3A_155 : vector<1024x1xi32>
    %jit3A_157 = arith.constant 0.000000e+00 : f32
    %broadcast_in_dim3A_158 = vector.shape_cast %ne3A_156 : vector<1024x1xi1> to vector<1024x1xi1>
    %broadcast_in_dim3A_159 = vector.broadcast %broadcast_in_dim3A_158 : vector<1024x1xi1> to vector<1024x256xi1>
    %broadcast_in_dim3A_160 = vector.broadcast %jit3A_157 : f32 to vector<1024x256xf32>
    %select_n3A_161 = arith.select %broadcast_in_dim3A_159, %concatenate3A_153, %broadcast_in_dim3A_160 : vector<1024x256xi1>, vector<1024x256xf32>
    %get3A_162 = arith.constant 8 : index
    %get3A_163 = arith.constant 0 : index
    %get3A_164 = arith.constant 0 : index
    %get3A_165 = vector.load %arg2[%get3A_162, %get3A_163, %get3A_164] : memref<9x256x256xf32, #tpu.memory_space<vmem>>, vector<1x256x256xf32>
    %get3A_166 = vector.shape_cast %get3A_165 : vector<1x256x256xf32> to vector<256x256xf32>
    %dot_general3A_167 = arith.constant dense<0.000000e+00> : vector<1024x256xf32>
    %dot_general3A_168 = tpu.matmul %select_n3A_161, %get3A_166, %dot_general3A_167 {dimension_numbers = #tpu.dot_dimension_numbers<[1], [0], [0], [1], [0, 0, 1, 1], [], []>, transpose_lhs_hint = false} : vector<1024x256xf32>, vector<256x256xf32>, vector<1024x256xf32> -> vector<1024x256xf32>
    %add3A_169 = arith.addf %add3A_149, %dot_general3A_168 : vector<1024x256xf32>
    %get3A_170 = arith.constant 0 : index
    %get3A_171 = arith.constant 0 : index
    %get3A_172 = vector.load %arg3[%get3A_170, %get3A_171] : memref<1x256xf32, #tpu.memory_space<vmem>>, vector<1x256xf32>
    %add3A_173 = vector.broadcast %get3A_172 : vector<1x256xf32> to vector<1024x256xf32>
    %add3A_174 = arith.addf %add3A_169, %add3A_173 : vector<1024x256xf32>
    %max3A = arith.constant 0.000000e+00 : f32
    %max3A_175 = vector.broadcast %max3A : f32 to vector<1024x256xf32>
    %max3A_176 = arith.maximumf %add3A_174, %max3A_175 : vector<1024x256xf32>
    %broadcast_in_dim3A_177 = arith.constant 0.000000e+00 : f32
    %broadcast_in_dim3A_178 = vector.broadcast %broadcast_in_dim3A_177 : f32 to vector<33x256xf32>
    %slice3A_179 = vector.extract_strided_slice %max3A_176 {offsets = [0, 0], sizes = [991, 256], strides = [1, 1]} : vector<1024x256xf32> to vector<991x256xf32>
    %concatenate3A_180 = tpu.concatenate %broadcast_in_dim3A_178, %slice3A_179 in 0 : vector<33x256xf32>, vector<991x256xf32> -> vector<1024x256xf32>
    %ne3A_181 = arith.constant 0 : i32
    %ne3A_182 = vector.broadcast %ne3A_181 : i32 to vector<1024x1xi32>
    %ne3A_183 = arith.cmpi ne, %select_n3A_22, %ne3A_182 : vector<1024x1xi32>
    %jit3A_184 = arith.constant 0.000000e+00 : f32
    %broadcast_in_dim3A_185 = vector.shape_cast %ne3A_183 : vector<1024x1xi1> to vector<1024x1xi1>
    %broadcast_in_dim3A_186 = vector.broadcast %broadcast_in_dim3A_185 : vector<1024x1xi1> to vector<1024x256xi1>
    %broadcast_in_dim3A_187 = vector.broadcast %jit3A_184 : f32 to vector<1024x256xf32>
    %select_n3A_188 = arith.select %broadcast_in_dim3A_186, %concatenate3A_180, %broadcast_in_dim3A_187 : vector<1024x256xi1>, vector<1024x256xf32>
    %get3A_189 = arith.constant 0 : index
    %get3A_190 = arith.constant 0 : index
    %get3A_191 = arith.constant 0 : index
    %get3A_192 = vector.load %arg4[%get3A_189, %get3A_190, %get3A_191] : memref<9x256x128xf32, #tpu.memory_space<vmem>>, vector<1x256x128xf32>
    %get3A_193 = vector.shape_cast %get3A_192 : vector<1x256x128xf32> to vector<256x128xf32>
    %dot_general3A_194 = arith.constant dense<0.000000e+00> : vector<1024x128xf32>
    %dot_general3A_195 = tpu.matmul %select_n3A_188, %get3A_193, %dot_general3A_194 {dimension_numbers = #tpu.dot_dimension_numbers<[1], [0], [0], [1], [0, 0, 1, 1], [], []>, transpose_lhs_hint = false} : vector<1024x256xf32>, vector<256x128xf32>, vector<1024x128xf32> -> vector<1024x128xf32>
    %broadcast_in_dim3A_196 = arith.constant 0.000000e+00 : f32
    %broadcast_in_dim3A_197 = vector.broadcast %broadcast_in_dim3A_196 : f32 to vector<32x256xf32>
    %slice3A_198 = vector.extract_strided_slice %max3A_176 {offsets = [0, 0], sizes = [992, 256], strides = [1, 1]} : vector<1024x256xf32> to vector<992x256xf32>
    %concatenate3A_199 = tpu.concatenate %broadcast_in_dim3A_197, %slice3A_198 in 0 : vector<32x256xf32>, vector<992x256xf32> -> vector<1024x256xf32>
    %get3A_200 = arith.constant 1 : index
    %get3A_201 = arith.constant 0 : index
    %get3A_202 = arith.constant 0 : index
    %get3A_203 = vector.load %arg4[%get3A_200, %get3A_201, %get3A_202] : memref<9x256x128xf32, #tpu.memory_space<vmem>>, vector<1x256x128xf32>
    %get3A_204 = vector.shape_cast %get3A_203 : vector<1x256x128xf32> to vector<256x128xf32>
    %dot_general3A_205 = arith.constant dense<0.000000e+00> : vector<1024x128xf32>
    %dot_general3A_206 = tpu.matmul %concatenate3A_199, %get3A_204, %dot_general3A_205 {dimension_numbers = #tpu.dot_dimension_numbers<[1], [0], [0], [1], [0, 0, 1, 1], [], []>, transpose_lhs_hint = false} : vector<1024x256xf32>, vector<256x128xf32>, vector<1024x128xf32> -> vector<1024x128xf32>
    %add3A_207 = arith.addf %dot_general3A_195, %dot_general3A_206 : vector<1024x128xf32>
    %broadcast_in_dim3A_208 = arith.constant 0.000000e+00 : f32
    %broadcast_in_dim3A_209 = vector.broadcast %broadcast_in_dim3A_208 : f32 to vector<31x256xf32>
    %slice3A_210 = vector.extract_strided_slice %max3A_176 {offsets = [0, 0], sizes = [993, 256], strides = [1, 1]} : vector<1024x256xf32> to vector<993x256xf32>
    %concatenate3A_211 = tpu.concatenate %broadcast_in_dim3A_209, %slice3A_210 in 0 : vector<31x256xf32>, vector<993x256xf32> -> vector<1024x256xf32>
    %ne3A_212 = arith.constant 31 : i32
    %ne3A_213 = vector.broadcast %ne3A_212 : i32 to vector<1024x1xi32>
    %ne3A_214 = arith.cmpi ne, %select_n3A_22, %ne3A_213 : vector<1024x1xi32>
    %jit3A_215 = arith.constant 0.000000e+00 : f32
    %broadcast_in_dim3A_216 = vector.shape_cast %ne3A_214 : vector<1024x1xi1> to vector<1024x1xi1>
    %broadcast_in_dim3A_217 = vector.broadcast %broadcast_in_dim3A_216 : vector<1024x1xi1> to vector<1024x256xi1>
    %broadcast_in_dim3A_218 = vector.broadcast %jit3A_215 : f32 to vector<1024x256xf32>
    %select_n3A_219 = arith.select %broadcast_in_dim3A_217, %concatenate3A_211, %broadcast_in_dim3A_218 : vector<1024x256xi1>, vector<1024x256xf32>
    %get3A_220 = arith.constant 2 : index
    %get3A_221 = arith.constant 0 : index
    %get3A_222 = arith.constant 0 : index
    %get3A_223 = vector.load %arg4[%get3A_220, %get3A_221, %get3A_222] : memref<9x256x128xf32, #tpu.memory_space<vmem>>, vector<1x256x128xf32>
    %get3A_224 = vector.shape_cast %get3A_223 : vector<1x256x128xf32> to vector<256x128xf32>
    %dot_general3A_225 = arith.constant dense<0.000000e+00> : vector<1024x128xf32>
    %dot_general3A_226 = tpu.matmul %select_n3A_219, %get3A_224, %dot_general3A_225 {dimension_numbers = #tpu.dot_dimension_numbers<[1], [0], [0], [1], [0, 0, 1, 1], [], []>, transpose_lhs_hint = false} : vector<1024x256xf32>, vector<256x128xf32>, vector<1024x128xf32> -> vector<1024x128xf32>
    %add3A_227 = arith.addf %add3A_207, %dot_general3A_226 : vector<1024x128xf32>
    %broadcast_in_dim3A_228 = arith.constant 0.000000e+00 : f32
    %broadcast_in_dim3A_229 = vector.broadcast %broadcast_in_dim3A_228 : f32 to vector<1x256xf32>
    %slice3A_230 = vector.extract_strided_slice %max3A_176 {offsets = [0, 0], sizes = [1023, 256], strides = [1, 1]} : vector<1024x256xf32> to vector<1023x256xf32>
    %concatenate3A_231 = tpu.concatenate %broadcast_in_dim3A_229, %slice3A_230 in 0 : vector<1x256xf32>, vector<1023x256xf32> -> vector<1024x256xf32>
    %ne3A_232 = arith.constant 0 : i32
    %ne3A_233 = vector.broadcast %ne3A_232 : i32 to vector<1024x1xi32>
    %ne3A_234 = arith.cmpi ne, %select_n3A_22, %ne3A_233 : vector<1024x1xi32>
    %jit3A_235 = arith.constant 0.000000e+00 : f32
    %broadcast_in_dim3A_236 = vector.shape_cast %ne3A_234 : vector<1024x1xi1> to vector<1024x1xi1>
    %broadcast_in_dim3A_237 = vector.broadcast %broadcast_in_dim3A_236 : vector<1024x1xi1> to vector<1024x256xi1>
    %broadcast_in_dim3A_238 = vector.broadcast %jit3A_235 : f32 to vector<1024x256xf32>
    %select_n3A_239 = arith.select %broadcast_in_dim3A_237, %concatenate3A_231, %broadcast_in_dim3A_238 : vector<1024x256xi1>, vector<1024x256xf32>
    %get3A_240 = arith.constant 3 : index
    %get3A_241 = arith.constant 0 : index
    %get3A_242 = arith.constant 0 : index
    %get3A_243 = vector.load %arg4[%get3A_240, %get3A_241, %get3A_242] : memref<9x256x128xf32, #tpu.memory_space<vmem>>, vector<1x256x128xf32>
    %get3A_244 = vector.shape_cast %get3A_243 : vector<1x256x128xf32> to vector<256x128xf32>
    %dot_general3A_245 = arith.constant dense<0.000000e+00> : vector<1024x128xf32>
    %dot_general3A_246 = tpu.matmul %select_n3A_239, %get3A_244, %dot_general3A_245 {dimension_numbers = #tpu.dot_dimension_numbers<[1], [0], [0], [1], [0, 0, 1, 1], [], []>, transpose_lhs_hint = false} : vector<1024x256xf32>, vector<256x128xf32>, vector<1024x128xf32> -> vector<1024x128xf32>
    %add3A_247 = arith.addf %add3A_227, %dot_general3A_246 : vector<1024x128xf32>
    %get3A_248 = arith.constant 4 : index
    %get3A_249 = arith.constant 0 : index
    %get3A_250 = arith.constant 0 : index
    %get3A_251 = vector.load %arg4[%get3A_248, %get3A_249, %get3A_250] : memref<9x256x128xf32, #tpu.memory_space<vmem>>, vector<1x256x128xf32>
    %get3A_252 = vector.shape_cast %get3A_251 : vector<1x256x128xf32> to vector<256x128xf32>
    %dot_general3A_253 = arith.constant dense<0.000000e+00> : vector<1024x128xf32>
    %dot_general3A_254 = tpu.matmul %max3A_176, %get3A_252, %dot_general3A_253 {dimension_numbers = #tpu.dot_dimension_numbers<[1], [0], [0], [1], [0, 0, 1, 1], [], []>, transpose_lhs_hint = false} : vector<1024x256xf32>, vector<256x128xf32>, vector<1024x128xf32> -> vector<1024x128xf32>
    %add3A_255 = arith.addf %add3A_247, %dot_general3A_254 : vector<1024x128xf32>
    %slice3A_256 = vector.extract_strided_slice %max3A_176 {offsets = [1, 0], sizes = [1023, 256], strides = [1, 1]} : vector<1024x256xf32> to vector<1023x256xf32>
    %broadcast_in_dim3A_257 = arith.constant 0.000000e+00 : f32
    %broadcast_in_dim3A_258 = vector.broadcast %broadcast_in_dim3A_257 : f32 to vector<1x256xf32>
    %concatenate3A_259 = tpu.concatenate %slice3A_256, %broadcast_in_dim3A_258 in 0 : vector<1023x256xf32>, vector<1x256xf32> -> vector<1024x256xf32>
    %ne3A_260 = arith.constant 31 : i32
    %ne3A_261 = vector.broadcast %ne3A_260 : i32 to vector<1024x1xi32>
    %ne3A_262 = arith.cmpi ne, %select_n3A_22, %ne3A_261 : vector<1024x1xi32>
    %jit3A_263 = arith.constant 0.000000e+00 : f32
    %broadcast_in_dim3A_264 = vector.shape_cast %ne3A_262 : vector<1024x1xi1> to vector<1024x1xi1>
    %broadcast_in_dim3A_265 = vector.broadcast %broadcast_in_dim3A_264 : vector<1024x1xi1> to vector<1024x256xi1>
    %broadcast_in_dim3A_266 = vector.broadcast %jit3A_263 : f32 to vector<1024x256xf32>
    %select_n3A_267 = arith.select %broadcast_in_dim3A_265, %concatenate3A_259, %broadcast_in_dim3A_266 : vector<1024x256xi1>, vector<1024x256xf32>
    %get3A_268 = arith.constant 5 : index
    %get3A_269 = arith.constant 0 : index
    %get3A_270 = arith.constant 0 : index
    %get3A_271 = vector.load %arg4[%get3A_268, %get3A_269, %get3A_270] : memref<9x256x128xf32, #tpu.memory_space<vmem>>, vector<1x256x128xf32>
    %get3A_272 = vector.shape_cast %get3A_271 : vector<1x256x128xf32> to vector<256x128xf32>
    %dot_general3A_273 = arith.constant dense<0.000000e+00> : vector<1024x128xf32>
    %dot_general3A_274 = tpu.matmul %select_n3A_267, %get3A_272, %dot_general3A_273 {dimension_numbers = #tpu.dot_dimension_numbers<[1], [0], [0], [1], [0, 0, 1, 1], [], []>, transpose_lhs_hint = false} : vector<1024x256xf32>, vector<256x128xf32>, vector<1024x128xf32> -> vector<1024x128xf32>
    %add3A_275 = arith.addf %add3A_255, %dot_general3A_274 : vector<1024x128xf32>
    %slice3A_276 = vector.extract_strided_slice %max3A_176 {offsets = [31, 0], sizes = [993, 256], strides = [1, 1]} : vector<1024x256xf32> to vector<993x256xf32>
    %broadcast_in_dim3A_277 = arith.constant 0.000000e+00 : f32
    %broadcast_in_dim3A_278 = vector.broadcast %broadcast_in_dim3A_277 : f32 to vector<31x256xf32>
    %concatenate3A_279 = tpu.concatenate %slice3A_276, %broadcast_in_dim3A_278 in 0 : vector<993x256xf32>, vector<31x256xf32> -> vector<1024x256xf32>
    %ne3A_280 = arith.constant 0 : i32
    %ne3A_281 = vector.broadcast %ne3A_280 : i32 to vector<1024x1xi32>
    %ne3A_282 = arith.cmpi ne, %select_n3A_22, %ne3A_281 : vector<1024x1xi32>
    %jit3A_283 = arith.constant 0.000000e+00 : f32
    %broadcast_in_dim3A_284 = vector.shape_cast %ne3A_282 : vector<1024x1xi1> to vector<1024x1xi1>
    %broadcast_in_dim3A_285 = vector.broadcast %broadcast_in_dim3A_284 : vector<1024x1xi1> to vector<1024x256xi1>
    %broadcast_in_dim3A_286 = vector.broadcast %jit3A_283 : f32 to vector<1024x256xf32>
    %select_n3A_287 = arith.select %broadcast_in_dim3A_285, %concatenate3A_279, %broadcast_in_dim3A_286 : vector<1024x256xi1>, vector<1024x256xf32>
    %get3A_288 = arith.constant 6 : index
    %get3A_289 = arith.constant 0 : index
    %get3A_290 = arith.constant 0 : index
    %get3A_291 = vector.load %arg4[%get3A_288, %get3A_289, %get3A_290] : memref<9x256x128xf32, #tpu.memory_space<vmem>>, vector<1x256x128xf32>
    %get3A_292 = vector.shape_cast %get3A_291 : vector<1x256x128xf32> to vector<256x128xf32>
    %dot_general3A_293 = arith.constant dense<0.000000e+00> : vector<1024x128xf32>
    %dot_general3A_294 = tpu.matmul %select_n3A_287, %get3A_292, %dot_general3A_293 {dimension_numbers = #tpu.dot_dimension_numbers<[1], [0], [0], [1], [0, 0, 1, 1], [], []>, transpose_lhs_hint = false} : vector<1024x256xf32>, vector<256x128xf32>, vector<1024x128xf32> -> vector<1024x128xf32>
    %add3A_295 = arith.addf %add3A_275, %dot_general3A_294 : vector<1024x128xf32>
    %slice3A_296 = vector.extract_strided_slice %max3A_176 {offsets = [32, 0], sizes = [992, 256], strides = [1, 1]} : vector<1024x256xf32> to vector<992x256xf32>
    %broadcast_in_dim3A_297 = arith.constant 0.000000e+00 : f32
    %broadcast_in_dim3A_298 = vector.broadcast %broadcast_in_dim3A_297 : f32 to vector<32x256xf32>
    %concatenate3A_299 = tpu.concatenate %slice3A_296, %broadcast_in_dim3A_298 in 0 : vector<992x256xf32>, vector<32x256xf32> -> vector<1024x256xf32>
    %get3A_300 = arith.constant 7 : index
    %get3A_301 = arith.constant 0 : index
    %get3A_302 = arith.constant 0 : index
    %get3A_303 = vector.load %arg4[%get3A_300, %get3A_301, %get3A_302] : memref<9x256x128xf32, #tpu.memory_space<vmem>>, vector<1x256x128xf32>
    %get3A_304 = vector.shape_cast %get3A_303 : vector<1x256x128xf32> to vector<256x128xf32>
    %dot_general3A_305 = arith.constant dense<0.000000e+00> : vector<1024x128xf32>
    %dot_general3A_306 = tpu.matmul %concatenate3A_299, %get3A_304, %dot_general3A_305 {dimension_numbers = #tpu.dot_dimension_numbers<[1], [0], [0], [1], [0, 0, 1, 1], [], []>, transpose_lhs_hint = false} : vector<1024x256xf32>, vector<256x128xf32>, vector<1024x128xf32> -> vector<1024x128xf32>
    %add3A_307 = arith.addf %add3A_295, %dot_general3A_306 : vector<1024x128xf32>
    %slice3A_308 = vector.extract_strided_slice %max3A_176 {offsets = [33, 0], sizes = [991, 256], strides = [1, 1]} : vector<1024x256xf32> to vector<991x256xf32>
    %broadcast_in_dim3A_309 = arith.constant 0.000000e+00 : f32
    %broadcast_in_dim3A_310 = vector.broadcast %broadcast_in_dim3A_309 : f32 to vector<33x256xf32>
    %concatenate3A_311 = tpu.concatenate %slice3A_308, %broadcast_in_dim3A_310 in 0 : vector<991x256xf32>, vector<33x256xf32> -> vector<1024x256xf32>
    %ne3A_312 = arith.constant 31 : i32
    %ne3A_313 = vector.broadcast %ne3A_312 : i32 to vector<1024x1xi32>
    %ne3A_314 = arith.cmpi ne, %select_n3A_22, %ne3A_313 : vector<1024x1xi32>
    %jit3A_315 = arith.constant 0.000000e+00 : f32
    %broadcast_in_dim3A_316 = vector.shape_cast %ne3A_314 : vector<1024x1xi1> to vector<1024x1xi1>
    %broadcast_in_dim3A_317 = vector.broadcast %broadcast_in_dim3A_316 : vector<1024x1xi1> to vector<1024x256xi1>
    %broadcast_in_dim3A_318 = vector.broadcast %jit3A_315 : f32 to vector<1024x256xf32>
    %select_n3A_319 = arith.select %broadcast_in_dim3A_317, %concatenate3A_311, %broadcast_in_dim3A_318 : vector<1024x256xi1>, vector<1024x256xf32>
    %get3A_320 = arith.constant 8 : index
    %get3A_321 = arith.constant 0 : index
    %get3A_322 = arith.constant 0 : index
    %get3A_323 = vector.load %arg4[%get3A_320, %get3A_321, %get3A_322] : memref<9x256x128xf32, #tpu.memory_space<vmem>>, vector<1x256x128xf32>
    %get3A_324 = vector.shape_cast %get3A_323 : vector<1x256x128xf32> to vector<256x128xf32>
    %dot_general3A_325 = arith.constant dense<0.000000e+00> : vector<1024x128xf32>
    %dot_general3A_326 = tpu.matmul %select_n3A_319, %get3A_324, %dot_general3A_325 {dimension_numbers = #tpu.dot_dimension_numbers<[1], [0], [0], [1], [0, 0, 1, 1], [], []>, transpose_lhs_hint = false} : vector<1024x256xf32>, vector<256x128xf32>, vector<1024x128xf32> -> vector<1024x128xf32>
    %add3A_327 = arith.addf %add3A_307, %dot_general3A_326 : vector<1024x128xf32>
    %get3A_328 = arith.constant 0 : index
    %get3A_329 = arith.constant 0 : index
    %get3A_330 = vector.load %arg5[%get3A_328, %get3A_329] : memref<1x128xf32, #tpu.memory_space<vmem>>, vector<1x128xf32>
    %add3A_331 = vector.broadcast %get3A_330 : vector<1x128xf32> to vector<1024x128xf32>
    %add3A_332 = arith.addf %add3A_327, %add3A_331 : vector<1024x128xf32>
    %max3A_333 = arith.constant 0.000000e+00 : f32
    %max3A_334 = vector.broadcast %max3A_333 : f32 to vector<1024x128xf32>
    %max3A_335 = arith.maximumf %add3A_332, %max3A_334 : vector<1024x128xf32>
    %broadcast_in_dim3A_336 = arith.constant 0.000000e+00 : f32
    %broadcast_in_dim3A_337 = vector.broadcast %broadcast_in_dim3A_336 : f32 to vector<33x128xf32>
    %slice3A_338 = vector.extract_strided_slice %max3A_335 {offsets = [0, 0], sizes = [991, 128], strides = [1, 1]} : vector<1024x128xf32> to vector<991x128xf32>
    %concatenate3A_339 = tpu.concatenate %broadcast_in_dim3A_337, %slice3A_338 in 0 : vector<33x128xf32>, vector<991x128xf32> -> vector<1024x128xf32>
    %ne3A_340 = arith.constant 0 : i32
    %ne3A_341 = vector.broadcast %ne3A_340 : i32 to vector<1024x1xi32>
    %ne3A_342 = arith.cmpi ne, %select_n3A_22, %ne3A_341 : vector<1024x1xi32>
    %jit3A_343 = arith.constant 0.000000e+00 : f32
    %broadcast_in_dim3A_344 = vector.shape_cast %ne3A_342 : vector<1024x1xi1> to vector<1024x1xi1>
    %broadcast_in_dim3A_345 = vector.broadcast %broadcast_in_dim3A_344 : vector<1024x1xi1> to vector<1024x128xi1>
    %broadcast_in_dim3A_346 = vector.broadcast %jit3A_343 : f32 to vector<1024x128xf32>
    %select_n3A_347 = arith.select %broadcast_in_dim3A_345, %concatenate3A_339, %broadcast_in_dim3A_346 : vector<1024x128xi1>, vector<1024x128xf32>
    %get3A_348 = arith.constant 0 : index
    %get3A_349 = arith.constant 0 : index
    %get3A_350 = arith.constant 0 : index
    %get3A_351 = vector.load %arg6[%get3A_348, %get3A_349, %get3A_350] : memref<9x128x256xf32, #tpu.memory_space<vmem>>, vector<1x128x256xf32>
    %get3A_352 = vector.shape_cast %get3A_351 : vector<1x128x256xf32> to vector<128x256xf32>
    %dot_general3A_353 = arith.constant dense<0.000000e+00> : vector<1024x256xf32>
    %dot_general3A_354 = tpu.matmul %select_n3A_347, %get3A_352, %dot_general3A_353 {dimension_numbers = #tpu.dot_dimension_numbers<[1], [0], [0], [1], [0, 0, 1, 1], [], []>, transpose_lhs_hint = false} : vector<1024x128xf32>, vector<128x256xf32>, vector<1024x256xf32> -> vector<1024x256xf32>
    %broadcast_in_dim3A_355 = arith.constant 0.000000e+00 : f32
    %broadcast_in_dim3A_356 = vector.broadcast %broadcast_in_dim3A_355 : f32 to vector<32x128xf32>
    %slice3A_357 = vector.extract_strided_slice %max3A_335 {offsets = [0, 0], sizes = [992, 128], strides = [1, 1]} : vector<1024x128xf32> to vector<992x128xf32>
    %concatenate3A_358 = tpu.concatenate %broadcast_in_dim3A_356, %slice3A_357 in 0 : vector<32x128xf32>, vector<992x128xf32> -> vector<1024x128xf32>
    %get3A_359 = arith.constant 1 : index
    %get3A_360 = arith.constant 0 : index
    %get3A_361 = arith.constant 0 : index
    %get3A_362 = vector.load %arg6[%get3A_359, %get3A_360, %get3A_361] : memref<9x128x256xf32, #tpu.memory_space<vmem>>, vector<1x128x256xf32>
    %get3A_363 = vector.shape_cast %get3A_362 : vector<1x128x256xf32> to vector<128x256xf32>
    %dot_general3A_364 = arith.constant dense<0.000000e+00> : vector<1024x256xf32>
    %dot_general3A_365 = tpu.matmul %concatenate3A_358, %get3A_363, %dot_general3A_364 {dimension_numbers = #tpu.dot_dimension_numbers<[1], [0], [0], [1], [0, 0, 1, 1], [], []>, transpose_lhs_hint = false} : vector<1024x128xf32>, vector<128x256xf32>, vector<1024x256xf32> -> vector<1024x256xf32>
    %add3A_366 = arith.addf %dot_general3A_354, %dot_general3A_365 : vector<1024x256xf32>
    %broadcast_in_dim3A_367 = arith.constant 0.000000e+00 : f32
    %broadcast_in_dim3A_368 = vector.broadcast %broadcast_in_dim3A_367 : f32 to vector<31x128xf32>
    %slice3A_369 = vector.extract_strided_slice %max3A_335 {offsets = [0, 0], sizes = [993, 128], strides = [1, 1]} : vector<1024x128xf32> to vector<993x128xf32>
    %concatenate3A_370 = tpu.concatenate %broadcast_in_dim3A_368, %slice3A_369 in 0 : vector<31x128xf32>, vector<993x128xf32> -> vector<1024x128xf32>
    %ne3A_371 = arith.constant 31 : i32
    %ne3A_372 = vector.broadcast %ne3A_371 : i32 to vector<1024x1xi32>
    %ne3A_373 = arith.cmpi ne, %select_n3A_22, %ne3A_372 : vector<1024x1xi32>
    %jit3A_374 = arith.constant 0.000000e+00 : f32
    %broadcast_in_dim3A_375 = vector.shape_cast %ne3A_373 : vector<1024x1xi1> to vector<1024x1xi1>
    %broadcast_in_dim3A_376 = vector.broadcast %broadcast_in_dim3A_375 : vector<1024x1xi1> to vector<1024x128xi1>
    %broadcast_in_dim3A_377 = vector.broadcast %jit3A_374 : f32 to vector<1024x128xf32>
    %select_n3A_378 = arith.select %broadcast_in_dim3A_376, %concatenate3A_370, %broadcast_in_dim3A_377 : vector<1024x128xi1>, vector<1024x128xf32>
    %get3A_379 = arith.constant 2 : index
    %get3A_380 = arith.constant 0 : index
    %get3A_381 = arith.constant 0 : index
    %get3A_382 = vector.load %arg6[%get3A_379, %get3A_380, %get3A_381] : memref<9x128x256xf32, #tpu.memory_space<vmem>>, vector<1x128x256xf32>
    %get3A_383 = vector.shape_cast %get3A_382 : vector<1x128x256xf32> to vector<128x256xf32>
    %dot_general3A_384 = arith.constant dense<0.000000e+00> : vector<1024x256xf32>
    %dot_general3A_385 = tpu.matmul %select_n3A_378, %get3A_383, %dot_general3A_384 {dimension_numbers = #tpu.dot_dimension_numbers<[1], [0], [0], [1], [0, 0, 1, 1], [], []>, transpose_lhs_hint = false} : vector<1024x128xf32>, vector<128x256xf32>, vector<1024x256xf32> -> vector<1024x256xf32>
    %add3A_386 = arith.addf %add3A_366, %dot_general3A_385 : vector<1024x256xf32>
    %broadcast_in_dim3A_387 = arith.constant 0.000000e+00 : f32
    %broadcast_in_dim3A_388 = vector.broadcast %broadcast_in_dim3A_387 : f32 to vector<1x128xf32>
    %slice3A_389 = vector.extract_strided_slice %max3A_335 {offsets = [0, 0], sizes = [1023, 128], strides = [1, 1]} : vector<1024x128xf32> to vector<1023x128xf32>
    %concatenate3A_390 = tpu.concatenate %broadcast_in_dim3A_388, %slice3A_389 in 0 : vector<1x128xf32>, vector<1023x128xf32> -> vector<1024x128xf32>
    %ne3A_391 = arith.constant 0 : i32
    %ne3A_392 = vector.broadcast %ne3A_391 : i32 to vector<1024x1xi32>
    %ne3A_393 = arith.cmpi ne, %select_n3A_22, %ne3A_392 : vector<1024x1xi32>
    %jit3A_394 = arith.constant 0.000000e+00 : f32
    %broadcast_in_dim3A_395 = vector.shape_cast %ne3A_393 : vector<1024x1xi1> to vector<1024x1xi1>
    %broadcast_in_dim3A_396 = vector.broadcast %broadcast_in_dim3A_395 : vector<1024x1xi1> to vector<1024x128xi1>
    %broadcast_in_dim3A_397 = vector.broadcast %jit3A_394 : f32 to vector<1024x128xf32>
    %select_n3A_398 = arith.select %broadcast_in_dim3A_396, %concatenate3A_390, %broadcast_in_dim3A_397 : vector<1024x128xi1>, vector<1024x128xf32>
    %get3A_399 = arith.constant 3 : index
    %get3A_400 = arith.constant 0 : index
    %get3A_401 = arith.constant 0 : index
    %get3A_402 = vector.load %arg6[%get3A_399, %get3A_400, %get3A_401] : memref<9x128x256xf32, #tpu.memory_space<vmem>>, vector<1x128x256xf32>
    %get3A_403 = vector.shape_cast %get3A_402 : vector<1x128x256xf32> to vector<128x256xf32>
    %dot_general3A_404 = arith.constant dense<0.000000e+00> : vector<1024x256xf32>
    %dot_general3A_405 = tpu.matmul %select_n3A_398, %get3A_403, %dot_general3A_404 {dimension_numbers = #tpu.dot_dimension_numbers<[1], [0], [0], [1], [0, 0, 1, 1], [], []>, transpose_lhs_hint = false} : vector<1024x128xf32>, vector<128x256xf32>, vector<1024x256xf32> -> vector<1024x256xf32>
    %add3A_406 = arith.addf %add3A_386, %dot_general3A_405 : vector<1024x256xf32>
    %get3A_407 = arith.constant 4 : index
    %get3A_408 = arith.constant 0 : index
    %get3A_409 = arith.constant 0 : index
    %get3A_410 = vector.load %arg6[%get3A_407, %get3A_408, %get3A_409] : memref<9x128x256xf32, #tpu.memory_space<vmem>>, vector<1x128x256xf32>
    %get3A_411 = vector.shape_cast %get3A_410 : vector<1x128x256xf32> to vector<128x256xf32>
    %dot_general3A_412 = arith.constant dense<0.000000e+00> : vector<1024x256xf32>
    %dot_general3A_413 = tpu.matmul %max3A_335, %get3A_411, %dot_general3A_412 {dimension_numbers = #tpu.dot_dimension_numbers<[1], [0], [0], [1], [0, 0, 1, 1], [], []>, transpose_lhs_hint = false} : vector<1024x128xf32>, vector<128x256xf32>, vector<1024x256xf32> -> vector<1024x256xf32>
    %add3A_414 = arith.addf %add3A_406, %dot_general3A_413 : vector<1024x256xf32>
    %slice3A_415 = vector.extract_strided_slice %max3A_335 {offsets = [1, 0], sizes = [1023, 128], strides = [1, 1]} : vector<1024x128xf32> to vector<1023x128xf32>
    %broadcast_in_dim3A_416 = arith.constant 0.000000e+00 : f32
    %broadcast_in_dim3A_417 = vector.broadcast %broadcast_in_dim3A_416 : f32 to vector<1x128xf32>
    %concatenate3A_418 = tpu.concatenate %slice3A_415, %broadcast_in_dim3A_417 in 0 : vector<1023x128xf32>, vector<1x128xf32> -> vector<1024x128xf32>
    %ne3A_419 = arith.constant 31 : i32
    %ne3A_420 = vector.broadcast %ne3A_419 : i32 to vector<1024x1xi32>
    %ne3A_421 = arith.cmpi ne, %select_n3A_22, %ne3A_420 : vector<1024x1xi32>
    %jit3A_422 = arith.constant 0.000000e+00 : f32
    %broadcast_in_dim3A_423 = vector.shape_cast %ne3A_421 : vector<1024x1xi1> to vector<1024x1xi1>
    %broadcast_in_dim3A_424 = vector.broadcast %broadcast_in_dim3A_423 : vector<1024x1xi1> to vector<1024x128xi1>
    %broadcast_in_dim3A_425 = vector.broadcast %jit3A_422 : f32 to vector<1024x128xf32>
    %select_n3A_426 = arith.select %broadcast_in_dim3A_424, %concatenate3A_418, %broadcast_in_dim3A_425 : vector<1024x128xi1>, vector<1024x128xf32>
    %get3A_427 = arith.constant 5 : index
    %get3A_428 = arith.constant 0 : index
    %get3A_429 = arith.constant 0 : index
    %get3A_430 = vector.load %arg6[%get3A_427, %get3A_428, %get3A_429] : memref<9x128x256xf32, #tpu.memory_space<vmem>>, vector<1x128x256xf32>
    %get3A_431 = vector.shape_cast %get3A_430 : vector<1x128x256xf32> to vector<128x256xf32>
    %dot_general3A_432 = arith.constant dense<0.000000e+00> : vector<1024x256xf32>
    %dot_general3A_433 = tpu.matmul %select_n3A_426, %get3A_431, %dot_general3A_432 {dimension_numbers = #tpu.dot_dimension_numbers<[1], [0], [0], [1], [0, 0, 1, 1], [], []>, transpose_lhs_hint = false} : vector<1024x128xf32>, vector<128x256xf32>, vector<1024x256xf32> -> vector<1024x256xf32>
    %add3A_434 = arith.addf %add3A_414, %dot_general3A_433 : vector<1024x256xf32>
    %slice3A_435 = vector.extract_strided_slice %max3A_335 {offsets = [31, 0], sizes = [993, 128], strides = [1, 1]} : vector<1024x128xf32> to vector<993x128xf32>
    %broadcast_in_dim3A_436 = arith.constant 0.000000e+00 : f32
    %broadcast_in_dim3A_437 = vector.broadcast %broadcast_in_dim3A_436 : f32 to vector<31x128xf32>
    %concatenate3A_438 = tpu.concatenate %slice3A_435, %broadcast_in_dim3A_437 in 0 : vector<993x128xf32>, vector<31x128xf32> -> vector<1024x128xf32>
    %ne3A_439 = arith.constant 0 : i32
    %ne3A_440 = vector.broadcast %ne3A_439 : i32 to vector<1024x1xi32>
    %ne3A_441 = arith.cmpi ne, %select_n3A_22, %ne3A_440 : vector<1024x1xi32>
    %jit3A_442 = arith.constant 0.000000e+00 : f32
    %broadcast_in_dim3A_443 = vector.shape_cast %ne3A_441 : vector<1024x1xi1> to vector<1024x1xi1>
    %broadcast_in_dim3A_444 = vector.broadcast %broadcast_in_dim3A_443 : vector<1024x1xi1> to vector<1024x128xi1>
    %broadcast_in_dim3A_445 = vector.broadcast %jit3A_442 : f32 to vector<1024x128xf32>
    %select_n3A_446 = arith.select %broadcast_in_dim3A_444, %concatenate3A_438, %broadcast_in_dim3A_445 : vector<1024x128xi1>, vector<1024x128xf32>
    %get3A_447 = arith.constant 6 : index
    %get3A_448 = arith.constant 0 : index
    %get3A_449 = arith.constant 0 : index
    %get3A_450 = vector.load %arg6[%get3A_447, %get3A_448, %get3A_449] : memref<9x128x256xf32, #tpu.memory_space<vmem>>, vector<1x128x256xf32>
    %get3A_451 = vector.shape_cast %get3A_450 : vector<1x128x256xf32> to vector<128x256xf32>
    %dot_general3A_452 = arith.constant dense<0.000000e+00> : vector<1024x256xf32>
    %dot_general3A_453 = tpu.matmul %select_n3A_446, %get3A_451, %dot_general3A_452 {dimension_numbers = #tpu.dot_dimension_numbers<[1], [0], [0], [1], [0, 0, 1, 1], [], []>, transpose_lhs_hint = false} : vector<1024x128xf32>, vector<128x256xf32>, vector<1024x256xf32> -> vector<1024x256xf32>
    %add3A_454 = arith.addf %add3A_434, %dot_general3A_453 : vector<1024x256xf32>
    %slice3A_455 = vector.extract_strided_slice %max3A_335 {offsets = [32, 0], sizes = [992, 128], strides = [1, 1]} : vector<1024x128xf32> to vector<992x128xf32>
    %broadcast_in_dim3A_456 = arith.constant 0.000000e+00 : f32
    %broadcast_in_dim3A_457 = vector.broadcast %broadcast_in_dim3A_456 : f32 to vector<32x128xf32>
    %concatenate3A_458 = tpu.concatenate %slice3A_455, %broadcast_in_dim3A_457 in 0 : vector<992x128xf32>, vector<32x128xf32> -> vector<1024x128xf32>
    %get3A_459 = arith.constant 7 : index
    %get3A_460 = arith.constant 0 : index
    %get3A_461 = arith.constant 0 : index
    %get3A_462 = vector.load %arg6[%get3A_459, %get3A_460, %get3A_461] : memref<9x128x256xf32, #tpu.memory_space<vmem>>, vector<1x128x256xf32>
    %get3A_463 = vector.shape_cast %get3A_462 : vector<1x128x256xf32> to vector<128x256xf32>
    %dot_general3A_464 = arith.constant dense<0.000000e+00> : vector<1024x256xf32>
    %dot_general3A_465 = tpu.matmul %concatenate3A_458, %get3A_463, %dot_general3A_464 {dimension_numbers = #tpu.dot_dimension_numbers<[1], [0], [0], [1], [0, 0, 1, 1], [], []>, transpose_lhs_hint = false} : vector<1024x128xf32>, vector<128x256xf32>, vector<1024x256xf32> -> vector<1024x256xf32>
    %add3A_466 = arith.addf %add3A_454, %dot_general3A_465 : vector<1024x256xf32>
    %slice3A_467 = vector.extract_strided_slice %max3A_335 {offsets = [33, 0], sizes = [991, 128], strides = [1, 1]} : vector<1024x128xf32> to vector<991x128xf32>
    %broadcast_in_dim3A_468 = arith.constant 0.000000e+00 : f32
    %broadcast_in_dim3A_469 = vector.broadcast %broadcast_in_dim3A_468 : f32 to vector<33x128xf32>
    %concatenate3A_470 = tpu.concatenate %slice3A_467, %broadcast_in_dim3A_469 in 0 : vector<991x128xf32>, vector<33x128xf32> -> vector<1024x128xf32>
    %ne3A_471 = arith.constant 31 : i32
    %ne3A_472 = vector.broadcast %ne3A_471 : i32 to vector<1024x1xi32>
    %ne3A_473 = arith.cmpi ne, %select_n3A_22, %ne3A_472 : vector<1024x1xi32>
    %jit3A_474 = arith.constant 0.000000e+00 : f32
    %broadcast_in_dim3A_475 = vector.shape_cast %ne3A_473 : vector<1024x1xi1> to vector<1024x1xi1>
    %broadcast_in_dim3A_476 = vector.broadcast %broadcast_in_dim3A_475 : vector<1024x1xi1> to vector<1024x128xi1>
    %broadcast_in_dim3A_477 = vector.broadcast %jit3A_474 : f32 to vector<1024x128xf32>
    %select_n3A_478 = arith.select %broadcast_in_dim3A_476, %concatenate3A_470, %broadcast_in_dim3A_477 : vector<1024x128xi1>, vector<1024x128xf32>
    %get3A_479 = arith.constant 8 : index
    %get3A_480 = arith.constant 0 : index
    %get3A_481 = arith.constant 0 : index
    %get3A_482 = vector.load %arg6[%get3A_479, %get3A_480, %get3A_481] : memref<9x128x256xf32, #tpu.memory_space<vmem>>, vector<1x128x256xf32>
    %get3A_483 = vector.shape_cast %get3A_482 : vector<1x128x256xf32> to vector<128x256xf32>
    %dot_general3A_484 = arith.constant dense<0.000000e+00> : vector<1024x256xf32>
    %dot_general3A_485 = tpu.matmul %select_n3A_478, %get3A_483, %dot_general3A_484 {dimension_numbers = #tpu.dot_dimension_numbers<[1], [0], [0], [1], [0, 0, 1, 1], [], []>, transpose_lhs_hint = false} : vector<1024x128xf32>, vector<128x256xf32>, vector<1024x256xf32> -> vector<1024x256xf32>
    %add3A_486 = arith.addf %add3A_466, %dot_general3A_485 : vector<1024x256xf32>
    %get3A_487 = arith.constant 0 : index
    %get3A_488 = arith.constant 0 : index
    %get3A_489 = vector.load %arg7[%get3A_487, %get3A_488] : memref<1x256xf32, #tpu.memory_space<vmem>>, vector<1x256xf32>
    %add3A_490 = vector.broadcast %get3A_489 : vector<1x256xf32> to vector<1024x256xf32>
    %add3A_491 = arith.addf %add3A_486, %add3A_490 : vector<1024x256xf32>
    %add3A_492 = arith.addf %add3A_174, %add3A_491 : vector<1024x256xf32>
    %max3A_493 = arith.constant 0.000000e+00 : f32
    %max3A_494 = vector.broadcast %max3A_493 : f32 to vector<1024x256xf32>
    %max3A_495 = arith.maximumf %add3A_492, %max3A_494 : vector<1024x256xf32>
    %broadcast_in_dim3A_496 = arith.constant 0.000000e+00 : f32
    %broadcast_in_dim3A_497 = vector.broadcast %broadcast_in_dim3A_496 : f32 to vector<33x256xf32>
    %slice3A_498 = vector.extract_strided_slice %max3A_495 {offsets = [0, 0], sizes = [991, 256], strides = [1, 1]} : vector<1024x256xf32> to vector<991x256xf32>
    %concatenate3A_499 = tpu.concatenate %broadcast_in_dim3A_497, %slice3A_498 in 0 : vector<33x256xf32>, vector<991x256xf32> -> vector<1024x256xf32>
    %ne3A_500 = arith.constant 0 : i32
    %ne3A_501 = vector.broadcast %ne3A_500 : i32 to vector<1024x1xi32>
    %ne3A_502 = arith.cmpi ne, %select_n3A_22, %ne3A_501 : vector<1024x1xi32>
    %jit3A_503 = arith.constant 0.000000e+00 : f32
    %broadcast_in_dim3A_504 = vector.shape_cast %ne3A_502 : vector<1024x1xi1> to vector<1024x1xi1>
    %broadcast_in_dim3A_505 = vector.broadcast %broadcast_in_dim3A_504 : vector<1024x1xi1> to vector<1024x256xi1>
    %broadcast_in_dim3A_506 = vector.broadcast %jit3A_503 : f32 to vector<1024x256xf32>
    %select_n3A_507 = arith.select %broadcast_in_dim3A_505, %concatenate3A_499, %broadcast_in_dim3A_506 : vector<1024x256xi1>, vector<1024x256xf32>
    %get3A_508 = arith.constant 0 : index
    %get3A_509 = arith.constant 0 : index
    %get3A_510 = arith.constant 0 : index
    %get3A_511 = vector.load %arg8[%get3A_508, %get3A_509, %get3A_510] : memref<9x256x128xf32, #tpu.memory_space<vmem>>, vector<1x256x128xf32>
    %get3A_512 = vector.shape_cast %get3A_511 : vector<1x256x128xf32> to vector<256x128xf32>
    %dot_general3A_513 = arith.constant dense<0.000000e+00> : vector<1024x128xf32>
    %dot_general3A_514 = tpu.matmul %select_n3A_507, %get3A_512, %dot_general3A_513 {dimension_numbers = #tpu.dot_dimension_numbers<[1], [0], [0], [1], [0, 0, 1, 1], [], []>, transpose_lhs_hint = false} : vector<1024x256xf32>, vector<256x128xf32>, vector<1024x128xf32> -> vector<1024x128xf32>
    %broadcast_in_dim3A_515 = arith.constant 0.000000e+00 : f32
    %broadcast_in_dim3A_516 = vector.broadcast %broadcast_in_dim3A_515 : f32 to vector<32x256xf32>
    %slice3A_517 = vector.extract_strided_slice %max3A_495 {offsets = [0, 0], sizes = [992, 256], strides = [1, 1]} : vector<1024x256xf32> to vector<992x256xf32>
    %concatenate3A_518 = tpu.concatenate %broadcast_in_dim3A_516, %slice3A_517 in 0 : vector<32x256xf32>, vector<992x256xf32> -> vector<1024x256xf32>
    %get3A_519 = arith.constant 1 : index
    %get3A_520 = arith.constant 0 : index
    %get3A_521 = arith.constant 0 : index
    %get3A_522 = vector.load %arg8[%get3A_519, %get3A_520, %get3A_521] : memref<9x256x128xf32, #tpu.memory_space<vmem>>, vector<1x256x128xf32>
    %get3A_523 = vector.shape_cast %get3A_522 : vector<1x256x128xf32> to vector<256x128xf32>
    %dot_general3A_524 = arith.constant dense<0.000000e+00> : vector<1024x128xf32>
    %dot_general3A_525 = tpu.matmul %concatenate3A_518, %get3A_523, %dot_general3A_524 {dimension_numbers = #tpu.dot_dimension_numbers<[1], [0], [0], [1], [0, 0, 1, 1], [], []>, transpose_lhs_hint = false} : vector<1024x256xf32>, vector<256x128xf32>, vector<1024x128xf32> -> vector<1024x128xf32>
    %add3A_526 = arith.addf %dot_general3A_514, %dot_general3A_525 : vector<1024x128xf32>
    %broadcast_in_dim3A_527 = arith.constant 0.000000e+00 : f32
    %broadcast_in_dim3A_528 = vector.broadcast %broadcast_in_dim3A_527 : f32 to vector<31x256xf32>
    %slice3A_529 = vector.extract_strided_slice %max3A_495 {offsets = [0, 0], sizes = [993, 256], strides = [1, 1]} : vector<1024x256xf32> to vector<993x256xf32>
    %concatenate3A_530 = tpu.concatenate %broadcast_in_dim3A_528, %slice3A_529 in 0 : vector<31x256xf32>, vector<993x256xf32> -> vector<1024x256xf32>
    %ne3A_531 = arith.constant 31 : i32
    %ne3A_532 = vector.broadcast %ne3A_531 : i32 to vector<1024x1xi32>
    %ne3A_533 = arith.cmpi ne, %select_n3A_22, %ne3A_532 : vector<1024x1xi32>
    %jit3A_534 = arith.constant 0.000000e+00 : f32
    %broadcast_in_dim3A_535 = vector.shape_cast %ne3A_533 : vector<1024x1xi1> to vector<1024x1xi1>
    %broadcast_in_dim3A_536 = vector.broadcast %broadcast_in_dim3A_535 : vector<1024x1xi1> to vector<1024x256xi1>
    %broadcast_in_dim3A_537 = vector.broadcast %jit3A_534 : f32 to vector<1024x256xf32>
    %select_n3A_538 = arith.select %broadcast_in_dim3A_536, %concatenate3A_530, %broadcast_in_dim3A_537 : vector<1024x256xi1>, vector<1024x256xf32>
    %get3A_539 = arith.constant 2 : index
    %get3A_540 = arith.constant 0 : index
    %get3A_541 = arith.constant 0 : index
    %get3A_542 = vector.load %arg8[%get3A_539, %get3A_540, %get3A_541] : memref<9x256x128xf32, #tpu.memory_space<vmem>>, vector<1x256x128xf32>
    %get3A_543 = vector.shape_cast %get3A_542 : vector<1x256x128xf32> to vector<256x128xf32>
    %dot_general3A_544 = arith.constant dense<0.000000e+00> : vector<1024x128xf32>
    %dot_general3A_545 = tpu.matmul %select_n3A_538, %get3A_543, %dot_general3A_544 {dimension_numbers = #tpu.dot_dimension_numbers<[1], [0], [0], [1], [0, 0, 1, 1], [], []>, transpose_lhs_hint = false} : vector<1024x256xf32>, vector<256x128xf32>, vector<1024x128xf32> -> vector<1024x128xf32>
    %add3A_546 = arith.addf %add3A_526, %dot_general3A_545 : vector<1024x128xf32>
    %broadcast_in_dim3A_547 = arith.constant 0.000000e+00 : f32
    %broadcast_in_dim3A_548 = vector.broadcast %broadcast_in_dim3A_547 : f32 to vector<1x256xf32>
    %slice3A_549 = vector.extract_strided_slice %max3A_495 {offsets = [0, 0], sizes = [1023, 256], strides = [1, 1]} : vector<1024x256xf32> to vector<1023x256xf32>
    %concatenate3A_550 = tpu.concatenate %broadcast_in_dim3A_548, %slice3A_549 in 0 : vector<1x256xf32>, vector<1023x256xf32> -> vector<1024x256xf32>
    %ne3A_551 = arith.constant 0 : i32
    %ne3A_552 = vector.broadcast %ne3A_551 : i32 to vector<1024x1xi32>
    %ne3A_553 = arith.cmpi ne, %select_n3A_22, %ne3A_552 : vector<1024x1xi32>
    %jit3A_554 = arith.constant 0.000000e+00 : f32
    %broadcast_in_dim3A_555 = vector.shape_cast %ne3A_553 : vector<1024x1xi1> to vector<1024x1xi1>
    %broadcast_in_dim3A_556 = vector.broadcast %broadcast_in_dim3A_555 : vector<1024x1xi1> to vector<1024x256xi1>
    %broadcast_in_dim3A_557 = vector.broadcast %jit3A_554 : f32 to vector<1024x256xf32>
    %select_n3A_558 = arith.select %broadcast_in_dim3A_556, %concatenate3A_550, %broadcast_in_dim3A_557 : vector<1024x256xi1>, vector<1024x256xf32>
    %get3A_559 = arith.constant 3 : index
    %get3A_560 = arith.constant 0 : index
    %get3A_561 = arith.constant 0 : index
    %get3A_562 = vector.load %arg8[%get3A_559, %get3A_560, %get3A_561] : memref<9x256x128xf32, #tpu.memory_space<vmem>>, vector<1x256x128xf32>
    %get3A_563 = vector.shape_cast %get3A_562 : vector<1x256x128xf32> to vector<256x128xf32>
    %dot_general3A_564 = arith.constant dense<0.000000e+00> : vector<1024x128xf32>
    %dot_general3A_565 = tpu.matmul %select_n3A_558, %get3A_563, %dot_general3A_564 {dimension_numbers = #tpu.dot_dimension_numbers<[1], [0], [0], [1], [0, 0, 1, 1], [], []>, transpose_lhs_hint = false} : vector<1024x256xf32>, vector<256x128xf32>, vector<1024x128xf32> -> vector<1024x128xf32>
    %add3A_566 = arith.addf %add3A_546, %dot_general3A_565 : vector<1024x128xf32>
    %get3A_567 = arith.constant 4 : index
    %get3A_568 = arith.constant 0 : index
    %get3A_569 = arith.constant 0 : index
    %get3A_570 = vector.load %arg8[%get3A_567, %get3A_568, %get3A_569] : memref<9x256x128xf32, #tpu.memory_space<vmem>>, vector<1x256x128xf32>
    %get3A_571 = vector.shape_cast %get3A_570 : vector<1x256x128xf32> to vector<256x128xf32>
    %dot_general3A_572 = arith.constant dense<0.000000e+00> : vector<1024x128xf32>
    %dot_general3A_573 = tpu.matmul %max3A_495, %get3A_571, %dot_general3A_572 {dimension_numbers = #tpu.dot_dimension_numbers<[1], [0], [0], [1], [0, 0, 1, 1], [], []>, transpose_lhs_hint = false} : vector<1024x256xf32>, vector<256x128xf32>, vector<1024x128xf32> -> vector<1024x128xf32>
    %add3A_574 = arith.addf %add3A_566, %dot_general3A_573 : vector<1024x128xf32>
    %slice3A_575 = vector.extract_strided_slice %max3A_495 {offsets = [1, 0], sizes = [1023, 256], strides = [1, 1]} : vector<1024x256xf32> to vector<1023x256xf32>
    %broadcast_in_dim3A_576 = arith.constant 0.000000e+00 : f32
    %broadcast_in_dim3A_577 = vector.broadcast %broadcast_in_dim3A_576 : f32 to vector<1x256xf32>
    %concatenate3A_578 = tpu.concatenate %slice3A_575, %broadcast_in_dim3A_577 in 0 : vector<1023x256xf32>, vector<1x256xf32> -> vector<1024x256xf32>
    %ne3A_579 = arith.constant 31 : i32
    %ne3A_580 = vector.broadcast %ne3A_579 : i32 to vector<1024x1xi32>
    %ne3A_581 = arith.cmpi ne, %select_n3A_22, %ne3A_580 : vector<1024x1xi32>
    %jit3A_582 = arith.constant 0.000000e+00 : f32
    %broadcast_in_dim3A_583 = vector.shape_cast %ne3A_581 : vector<1024x1xi1> to vector<1024x1xi1>
    %broadcast_in_dim3A_584 = vector.broadcast %broadcast_in_dim3A_583 : vector<1024x1xi1> to vector<1024x256xi1>
    %broadcast_in_dim3A_585 = vector.broadcast %jit3A_582 : f32 to vector<1024x256xf32>
    %select_n3A_586 = arith.select %broadcast_in_dim3A_584, %concatenate3A_578, %broadcast_in_dim3A_585 : vector<1024x256xi1>, vector<1024x256xf32>
    %get3A_587 = arith.constant 5 : index
    %get3A_588 = arith.constant 0 : index
    %get3A_589 = arith.constant 0 : index
    %get3A_590 = vector.load %arg8[%get3A_587, %get3A_588, %get3A_589] : memref<9x256x128xf32, #tpu.memory_space<vmem>>, vector<1x256x128xf32>
    %get3A_591 = vector.shape_cast %get3A_590 : vector<1x256x128xf32> to vector<256x128xf32>
    %dot_general3A_592 = arith.constant dense<0.000000e+00> : vector<1024x128xf32>
    %dot_general3A_593 = tpu.matmul %select_n3A_586, %get3A_591, %dot_general3A_592 {dimension_numbers = #tpu.dot_dimension_numbers<[1], [0], [0], [1], [0, 0, 1, 1], [], []>, transpose_lhs_hint = false} : vector<1024x256xf32>, vector<256x128xf32>, vector<1024x128xf32> -> vector<1024x128xf32>
    %add3A_594 = arith.addf %add3A_574, %dot_general3A_593 : vector<1024x128xf32>
    %slice3A_595 = vector.extract_strided_slice %max3A_495 {offsets = [31, 0], sizes = [993, 256], strides = [1, 1]} : vector<1024x256xf32> to vector<993x256xf32>
    %broadcast_in_dim3A_596 = arith.constant 0.000000e+00 : f32
    %broadcast_in_dim3A_597 = vector.broadcast %broadcast_in_dim3A_596 : f32 to vector<31x256xf32>
    %concatenate3A_598 = tpu.concatenate %slice3A_595, %broadcast_in_dim3A_597 in 0 : vector<993x256xf32>, vector<31x256xf32> -> vector<1024x256xf32>
    %ne3A_599 = arith.constant 0 : i32
    %ne3A_600 = vector.broadcast %ne3A_599 : i32 to vector<1024x1xi32>
    %ne3A_601 = arith.cmpi ne, %select_n3A_22, %ne3A_600 : vector<1024x1xi32>
    %jit3A_602 = arith.constant 0.000000e+00 : f32
    %broadcast_in_dim3A_603 = vector.shape_cast %ne3A_601 : vector<1024x1xi1> to vector<1024x1xi1>
    %broadcast_in_dim3A_604 = vector.broadcast %broadcast_in_dim3A_603 : vector<1024x1xi1> to vector<1024x256xi1>
    %broadcast_in_dim3A_605 = vector.broadcast %jit3A_602 : f32 to vector<1024x256xf32>
    %select_n3A_606 = arith.select %broadcast_in_dim3A_604, %concatenate3A_598, %broadcast_in_dim3A_605 : vector<1024x256xi1>, vector<1024x256xf32>
    %get3A_607 = arith.constant 6 : index
    %get3A_608 = arith.constant 0 : index
    %get3A_609 = arith.constant 0 : index
    %get3A_610 = vector.load %arg8[%get3A_607, %get3A_608, %get3A_609] : memref<9x256x128xf32, #tpu.memory_space<vmem>>, vector<1x256x128xf32>
    %get3A_611 = vector.shape_cast %get3A_610 : vector<1x256x128xf32> to vector<256x128xf32>
    %dot_general3A_612 = arith.constant dense<0.000000e+00> : vector<1024x128xf32>
    %dot_general3A_613 = tpu.matmul %select_n3A_606, %get3A_611, %dot_general3A_612 {dimension_numbers = #tpu.dot_dimension_numbers<[1], [0], [0], [1], [0, 0, 1, 1], [], []>, transpose_lhs_hint = false} : vector<1024x256xf32>, vector<256x128xf32>, vector<1024x128xf32> -> vector<1024x128xf32>
    %add3A_614 = arith.addf %add3A_594, %dot_general3A_613 : vector<1024x128xf32>
    %slice3A_615 = vector.extract_strided_slice %max3A_495 {offsets = [32, 0], sizes = [992, 256], strides = [1, 1]} : vector<1024x256xf32> to vector<992x256xf32>
    %broadcast_in_dim3A_616 = arith.constant 0.000000e+00 : f32
    %broadcast_in_dim3A_617 = vector.broadcast %broadcast_in_dim3A_616 : f32 to vector<32x256xf32>
    %concatenate3A_618 = tpu.concatenate %slice3A_615, %broadcast_in_dim3A_617 in 0 : vector<992x256xf32>, vector<32x256xf32> -> vector<1024x256xf32>
    %get3A_619 = arith.constant 7 : index
    %get3A_620 = arith.constant 0 : index
    %get3A_621 = arith.constant 0 : index
    %get3A_622 = vector.load %arg8[%get3A_619, %get3A_620, %get3A_621] : memref<9x256x128xf32, #tpu.memory_space<vmem>>, vector<1x256x128xf32>
    %get3A_623 = vector.shape_cast %get3A_622 : vector<1x256x128xf32> to vector<256x128xf32>
    %dot_general3A_624 = arith.constant dense<0.000000e+00> : vector<1024x128xf32>
    %dot_general3A_625 = tpu.matmul %concatenate3A_618, %get3A_623, %dot_general3A_624 {dimension_numbers = #tpu.dot_dimension_numbers<[1], [0], [0], [1], [0, 0, 1, 1], [], []>, transpose_lhs_hint = false} : vector<1024x256xf32>, vector<256x128xf32>, vector<1024x128xf32> -> vector<1024x128xf32>
    %add3A_626 = arith.addf %add3A_614, %dot_general3A_625 : vector<1024x128xf32>
    %slice3A_627 = vector.extract_strided_slice %max3A_495 {offsets = [33, 0], sizes = [991, 256], strides = [1, 1]} : vector<1024x256xf32> to vector<991x256xf32>
    %broadcast_in_dim3A_628 = arith.constant 0.000000e+00 : f32
    %broadcast_in_dim3A_629 = vector.broadcast %broadcast_in_dim3A_628 : f32 to vector<33x256xf32>
    %concatenate3A_630 = tpu.concatenate %slice3A_627, %broadcast_in_dim3A_629 in 0 : vector<991x256xf32>, vector<33x256xf32> -> vector<1024x256xf32>
    %ne3A_631 = arith.constant 31 : i32
    %ne3A_632 = vector.broadcast %ne3A_631 : i32 to vector<1024x1xi32>
    %ne3A_633 = arith.cmpi ne, %select_n3A_22, %ne3A_632 : vector<1024x1xi32>
    %jit3A_634 = arith.constant 0.000000e+00 : f32
    %broadcast_in_dim3A_635 = vector.shape_cast %ne3A_633 : vector<1024x1xi1> to vector<1024x1xi1>
    %broadcast_in_dim3A_636 = vector.broadcast %broadcast_in_dim3A_635 : vector<1024x1xi1> to vector<1024x256xi1>
    %broadcast_in_dim3A_637 = vector.broadcast %jit3A_634 : f32 to vector<1024x256xf32>
    %select_n3A_638 = arith.select %broadcast_in_dim3A_636, %concatenate3A_630, %broadcast_in_dim3A_637 : vector<1024x256xi1>, vector<1024x256xf32>
    %get3A_639 = arith.constant 8 : index
    %get3A_640 = arith.constant 0 : index
    %get3A_641 = arith.constant 0 : index
    %get3A_642 = vector.load %arg8[%get3A_639, %get3A_640, %get3A_641] : memref<9x256x128xf32, #tpu.memory_space<vmem>>, vector<1x256x128xf32>
    %get3A_643 = vector.shape_cast %get3A_642 : vector<1x256x128xf32> to vector<256x128xf32>
    %dot_general3A_644 = arith.constant dense<0.000000e+00> : vector<1024x128xf32>
    %dot_general3A_645 = tpu.matmul %select_n3A_638, %get3A_643, %dot_general3A_644 {dimension_numbers = #tpu.dot_dimension_numbers<[1], [0], [0], [1], [0, 0, 1, 1], [], []>, transpose_lhs_hint = false} : vector<1024x256xf32>, vector<256x128xf32>, vector<1024x128xf32> -> vector<1024x128xf32>
    %add3A_646 = arith.addf %add3A_626, %dot_general3A_645 : vector<1024x128xf32>
    %get3A_647 = arith.constant 0 : index
    %get3A_648 = arith.constant 0 : index
    %get3A_649 = vector.load %arg9[%get3A_647, %get3A_648] : memref<1x128xf32, #tpu.memory_space<vmem>>, vector<1x128xf32>
    %add3A_650 = vector.broadcast %get3A_649 : vector<1x128xf32> to vector<1024x128xf32>
    %add3A_651 = arith.addf %add3A_646, %add3A_650 : vector<1024x128xf32>
    %max3A_652 = arith.constant 0.000000e+00 : f32
    %max3A_653 = vector.broadcast %max3A_652 : f32 to vector<1024x128xf32>
    %max3A_654 = arith.maximumf %add3A_651, %max3A_653 : vector<1024x128xf32>
    %broadcast_in_dim3A_655 = arith.constant 0.000000e+00 : f32
    %broadcast_in_dim3A_656 = vector.broadcast %broadcast_in_dim3A_655 : f32 to vector<33x128xf32>
    %slice3A_657 = vector.extract_strided_slice %max3A_654 {offsets = [0, 0], sizes = [991, 128], strides = [1, 1]} : vector<1024x128xf32> to vector<991x128xf32>
    %concatenate3A_658 = tpu.concatenate %broadcast_in_dim3A_656, %slice3A_657 in 0 : vector<33x128xf32>, vector<991x128xf32> -> vector<1024x128xf32>
    %ne3A_659 = arith.constant 0 : i32
    %ne3A_660 = vector.broadcast %ne3A_659 : i32 to vector<1024x1xi32>
    %ne3A_661 = arith.cmpi ne, %select_n3A_22, %ne3A_660 : vector<1024x1xi32>
    %jit3A_662 = arith.constant 0.000000e+00 : f32
    %broadcast_in_dim3A_663 = vector.shape_cast %ne3A_661 : vector<1024x1xi1> to vector<1024x1xi1>
    %broadcast_in_dim3A_664 = vector.broadcast %broadcast_in_dim3A_663 : vector<1024x1xi1> to vector<1024x128xi1>
    %broadcast_in_dim3A_665 = vector.broadcast %jit3A_662 : f32 to vector<1024x128xf32>
    %select_n3A_666 = arith.select %broadcast_in_dim3A_664, %concatenate3A_658, %broadcast_in_dim3A_665 : vector<1024x128xi1>, vector<1024x128xf32>
    %get3A_667 = arith.constant 0 : index
    %get3A_668 = arith.constant 0 : index
    %get3A_669 = arith.constant 0 : index
    %get3A_670 = vector.load %arg10[%get3A_667, %get3A_668, %get3A_669] : memref<9x128x256xf32, #tpu.memory_space<vmem>>, vector<1x128x256xf32>
    %get3A_671 = vector.shape_cast %get3A_670 : vector<1x128x256xf32> to vector<128x256xf32>
    %dot_general3A_672 = arith.constant dense<0.000000e+00> : vector<1024x256xf32>
    %dot_general3A_673 = tpu.matmul %select_n3A_666, %get3A_671, %dot_general3A_672 {dimension_numbers = #tpu.dot_dimension_numbers<[1], [0], [0], [1], [0, 0, 1, 1], [], []>, transpose_lhs_hint = false} : vector<1024x128xf32>, vector<128x256xf32>, vector<1024x256xf32> -> vector<1024x256xf32>
    %broadcast_in_dim3A_674 = arith.constant 0.000000e+00 : f32
    %broadcast_in_dim3A_675 = vector.broadcast %broadcast_in_dim3A_674 : f32 to vector<32x128xf32>
    %slice3A_676 = vector.extract_strided_slice %max3A_654 {offsets = [0, 0], sizes = [992, 128], strides = [1, 1]} : vector<1024x128xf32> to vector<992x128xf32>
    %concatenate3A_677 = tpu.concatenate %broadcast_in_dim3A_675, %slice3A_676 in 0 : vector<32x128xf32>, vector<992x128xf32> -> vector<1024x128xf32>
    %get3A_678 = arith.constant 1 : index
    %get3A_679 = arith.constant 0 : index
    %get3A_680 = arith.constant 0 : index
    %get3A_681 = vector.load %arg10[%get3A_678, %get3A_679, %get3A_680] : memref<9x128x256xf32, #tpu.memory_space<vmem>>, vector<1x128x256xf32>
    %get3A_682 = vector.shape_cast %get3A_681 : vector<1x128x256xf32> to vector<128x256xf32>
    %dot_general3A_683 = arith.constant dense<0.000000e+00> : vector<1024x256xf32>
    %dot_general3A_684 = tpu.matmul %concatenate3A_677, %get3A_682, %dot_general3A_683 {dimension_numbers = #tpu.dot_dimension_numbers<[1], [0], [0], [1], [0, 0, 1, 1], [], []>, transpose_lhs_hint = false} : vector<1024x128xf32>, vector<128x256xf32>, vector<1024x256xf32> -> vector<1024x256xf32>
    %add3A_685 = arith.addf %dot_general3A_673, %dot_general3A_684 : vector<1024x256xf32>
    %broadcast_in_dim3A_686 = arith.constant 0.000000e+00 : f32
    %broadcast_in_dim3A_687 = vector.broadcast %broadcast_in_dim3A_686 : f32 to vector<31x128xf32>
    %slice3A_688 = vector.extract_strided_slice %max3A_654 {offsets = [0, 0], sizes = [993, 128], strides = [1, 1]} : vector<1024x128xf32> to vector<993x128xf32>
    %concatenate3A_689 = tpu.concatenate %broadcast_in_dim3A_687, %slice3A_688 in 0 : vector<31x128xf32>, vector<993x128xf32> -> vector<1024x128xf32>
    %ne3A_690 = arith.constant 31 : i32
    %ne3A_691 = vector.broadcast %ne3A_690 : i32 to vector<1024x1xi32>
    %ne3A_692 = arith.cmpi ne, %select_n3A_22, %ne3A_691 : vector<1024x1xi32>
    %jit3A_693 = arith.constant 0.000000e+00 : f32
    %broadcast_in_dim3A_694 = vector.shape_cast %ne3A_692 : vector<1024x1xi1> to vector<1024x1xi1>
    %broadcast_in_dim3A_695 = vector.broadcast %broadcast_in_dim3A_694 : vector<1024x1xi1> to vector<1024x128xi1>
    %broadcast_in_dim3A_696 = vector.broadcast %jit3A_693 : f32 to vector<1024x128xf32>
    %select_n3A_697 = arith.select %broadcast_in_dim3A_695, %concatenate3A_689, %broadcast_in_dim3A_696 : vector<1024x128xi1>, vector<1024x128xf32>
    %get3A_698 = arith.constant 2 : index
    %get3A_699 = arith.constant 0 : index
    %get3A_700 = arith.constant 0 : index
    %get3A_701 = vector.load %arg10[%get3A_698, %get3A_699, %get3A_700] : memref<9x128x256xf32, #tpu.memory_space<vmem>>, vector<1x128x256xf32>
    %get3A_702 = vector.shape_cast %get3A_701 : vector<1x128x256xf32> to vector<128x256xf32>
    %dot_general3A_703 = arith.constant dense<0.000000e+00> : vector<1024x256xf32>
    %dot_general3A_704 = tpu.matmul %select_n3A_697, %get3A_702, %dot_general3A_703 {dimension_numbers = #tpu.dot_dimension_numbers<[1], [0], [0], [1], [0, 0, 1, 1], [], []>, transpose_lhs_hint = false} : vector<1024x128xf32>, vector<128x256xf32>, vector<1024x256xf32> -> vector<1024x256xf32>
    %add3A_705 = arith.addf %add3A_685, %dot_general3A_704 : vector<1024x256xf32>
    %broadcast_in_dim3A_706 = arith.constant 0.000000e+00 : f32
    %broadcast_in_dim3A_707 = vector.broadcast %broadcast_in_dim3A_706 : f32 to vector<1x128xf32>
    %slice3A_708 = vector.extract_strided_slice %max3A_654 {offsets = [0, 0], sizes = [1023, 128], strides = [1, 1]} : vector<1024x128xf32> to vector<1023x128xf32>
    %concatenate3A_709 = tpu.concatenate %broadcast_in_dim3A_707, %slice3A_708 in 0 : vector<1x128xf32>, vector<1023x128xf32> -> vector<1024x128xf32>
    %ne3A_710 = arith.constant 0 : i32
    %ne3A_711 = vector.broadcast %ne3A_710 : i32 to vector<1024x1xi32>
    %ne3A_712 = arith.cmpi ne, %select_n3A_22, %ne3A_711 : vector<1024x1xi32>
    %jit3A_713 = arith.constant 0.000000e+00 : f32
    %broadcast_in_dim3A_714 = vector.shape_cast %ne3A_712 : vector<1024x1xi1> to vector<1024x1xi1>
    %broadcast_in_dim3A_715 = vector.broadcast %broadcast_in_dim3A_714 : vector<1024x1xi1> to vector<1024x128xi1>
    %broadcast_in_dim3A_716 = vector.broadcast %jit3A_713 : f32 to vector<1024x128xf32>
    %select_n3A_717 = arith.select %broadcast_in_dim3A_715, %concatenate3A_709, %broadcast_in_dim3A_716 : vector<1024x128xi1>, vector<1024x128xf32>
    %get3A_718 = arith.constant 3 : index
    %get3A_719 = arith.constant 0 : index
    %get3A_720 = arith.constant 0 : index
    %get3A_721 = vector.load %arg10[%get3A_718, %get3A_719, %get3A_720] : memref<9x128x256xf32, #tpu.memory_space<vmem>>, vector<1x128x256xf32>
    %get3A_722 = vector.shape_cast %get3A_721 : vector<1x128x256xf32> to vector<128x256xf32>
    %dot_general3A_723 = arith.constant dense<0.000000e+00> : vector<1024x256xf32>
    %dot_general3A_724 = tpu.matmul %select_n3A_717, %get3A_722, %dot_general3A_723 {dimension_numbers = #tpu.dot_dimension_numbers<[1], [0], [0], [1], [0, 0, 1, 1], [], []>, transpose_lhs_hint = false} : vector<1024x128xf32>, vector<128x256xf32>, vector<1024x256xf32> -> vector<1024x256xf32>
    %add3A_725 = arith.addf %add3A_705, %dot_general3A_724 : vector<1024x256xf32>
    %get3A_726 = arith.constant 4 : index
    %get3A_727 = arith.constant 0 : index
    %get3A_728 = arith.constant 0 : index
    %get3A_729 = vector.load %arg10[%get3A_726, %get3A_727, %get3A_728] : memref<9x128x256xf32, #tpu.memory_space<vmem>>, vector<1x128x256xf32>
    %get3A_730 = vector.shape_cast %get3A_729 : vector<1x128x256xf32> to vector<128x256xf32>
    %dot_general3A_731 = arith.constant dense<0.000000e+00> : vector<1024x256xf32>
    %dot_general3A_732 = tpu.matmul %max3A_654, %get3A_730, %dot_general3A_731 {dimension_numbers = #tpu.dot_dimension_numbers<[1], [0], [0], [1], [0, 0, 1, 1], [], []>, transpose_lhs_hint = false} : vector<1024x128xf32>, vector<128x256xf32>, vector<1024x256xf32> -> vector<1024x256xf32>
    %add3A_733 = arith.addf %add3A_725, %dot_general3A_732 : vector<1024x256xf32>
    %slice3A_734 = vector.extract_strided_slice %max3A_654 {offsets = [1, 0], sizes = [1023, 128], strides = [1, 1]} : vector<1024x128xf32> to vector<1023x128xf32>
    %broadcast_in_dim3A_735 = arith.constant 0.000000e+00 : f32
    %broadcast_in_dim3A_736 = vector.broadcast %broadcast_in_dim3A_735 : f32 to vector<1x128xf32>
    %concatenate3A_737 = tpu.concatenate %slice3A_734, %broadcast_in_dim3A_736 in 0 : vector<1023x128xf32>, vector<1x128xf32> -> vector<1024x128xf32>
    %ne3A_738 = arith.constant 31 : i32
    %ne3A_739 = vector.broadcast %ne3A_738 : i32 to vector<1024x1xi32>
    %ne3A_740 = arith.cmpi ne, %select_n3A_22, %ne3A_739 : vector<1024x1xi32>
    %jit3A_741 = arith.constant 0.000000e+00 : f32
    %broadcast_in_dim3A_742 = vector.shape_cast %ne3A_740 : vector<1024x1xi1> to vector<1024x1xi1>
    %broadcast_in_dim3A_743 = vector.broadcast %broadcast_in_dim3A_742 : vector<1024x1xi1> to vector<1024x128xi1>
    %broadcast_in_dim3A_744 = vector.broadcast %jit3A_741 : f32 to vector<1024x128xf32>
    %select_n3A_745 = arith.select %broadcast_in_dim3A_743, %concatenate3A_737, %broadcast_in_dim3A_744 : vector<1024x128xi1>, vector<1024x128xf32>
    %get3A_746 = arith.constant 5 : index
    %get3A_747 = arith.constant 0 : index
    %get3A_748 = arith.constant 0 : index
    %get3A_749 = vector.load %arg10[%get3A_746, %get3A_747, %get3A_748] : memref<9x128x256xf32, #tpu.memory_space<vmem>>, vector<1x128x256xf32>
    %get3A_750 = vector.shape_cast %get3A_749 : vector<1x128x256xf32> to vector<128x256xf32>
    %dot_general3A_751 = arith.constant dense<0.000000e+00> : vector<1024x256xf32>
    %dot_general3A_752 = tpu.matmul %select_n3A_745, %get3A_750, %dot_general3A_751 {dimension_numbers = #tpu.dot_dimension_numbers<[1], [0], [0], [1], [0, 0, 1, 1], [], []>, transpose_lhs_hint = false} : vector<1024x128xf32>, vector<128x256xf32>, vector<1024x256xf32> -> vector<1024x256xf32>
    %add3A_753 = arith.addf %add3A_733, %dot_general3A_752 : vector<1024x256xf32>
    %slice3A_754 = vector.extract_strided_slice %max3A_654 {offsets = [31, 0], sizes = [993, 128], strides = [1, 1]} : vector<1024x128xf32> to vector<993x128xf32>
    %broadcast_in_dim3A_755 = arith.constant 0.000000e+00 : f32
    %broadcast_in_dim3A_756 = vector.broadcast %broadcast_in_dim3A_755 : f32 to vector<31x128xf32>
    %concatenate3A_757 = tpu.concatenate %slice3A_754, %broadcast_in_dim3A_756 in 0 : vector<993x128xf32>, vector<31x128xf32> -> vector<1024x128xf32>
    %ne3A_758 = arith.constant 0 : i32
    %ne3A_759 = vector.broadcast %ne3A_758 : i32 to vector<1024x1xi32>
    %ne3A_760 = arith.cmpi ne, %select_n3A_22, %ne3A_759 : vector<1024x1xi32>
    %jit3A_761 = arith.constant 0.000000e+00 : f32
    %broadcast_in_dim3A_762 = vector.shape_cast %ne3A_760 : vector<1024x1xi1> to vector<1024x1xi1>
    %broadcast_in_dim3A_763 = vector.broadcast %broadcast_in_dim3A_762 : vector<1024x1xi1> to vector<1024x128xi1>
    %broadcast_in_dim3A_764 = vector.broadcast %jit3A_761 : f32 to vector<1024x128xf32>
    %select_n3A_765 = arith.select %broadcast_in_dim3A_763, %concatenate3A_757, %broadcast_in_dim3A_764 : vector<1024x128xi1>, vector<1024x128xf32>
    %get3A_766 = arith.constant 6 : index
    %get3A_767 = arith.constant 0 : index
    %get3A_768 = arith.constant 0 : index
    %get3A_769 = vector.load %arg10[%get3A_766, %get3A_767, %get3A_768] : memref<9x128x256xf32, #tpu.memory_space<vmem>>, vector<1x128x256xf32>
    %get3A_770 = vector.shape_cast %get3A_769 : vector<1x128x256xf32> to vector<128x256xf32>
    %dot_general3A_771 = arith.constant dense<0.000000e+00> : vector<1024x256xf32>
    %dot_general3A_772 = tpu.matmul %select_n3A_765, %get3A_770, %dot_general3A_771 {dimension_numbers = #tpu.dot_dimension_numbers<[1], [0], [0], [1], [0, 0, 1, 1], [], []>, transpose_lhs_hint = false} : vector<1024x128xf32>, vector<128x256xf32>, vector<1024x256xf32> -> vector<1024x256xf32>
    %add3A_773 = arith.addf %add3A_753, %dot_general3A_772 : vector<1024x256xf32>
    %slice3A_774 = vector.extract_strided_slice %max3A_654 {offsets = [32, 0], sizes = [992, 128], strides = [1, 1]} : vector<1024x128xf32> to vector<992x128xf32>
    %broadcast_in_dim3A_775 = arith.constant 0.000000e+00 : f32
    %broadcast_in_dim3A_776 = vector.broadcast %broadcast_in_dim3A_775 : f32 to vector<32x128xf32>
    %concatenate3A_777 = tpu.concatenate %slice3A_774, %broadcast_in_dim3A_776 in 0 : vector<992x128xf32>, vector<32x128xf32> -> vector<1024x128xf32>
    %get3A_778 = arith.constant 7 : index
    %get3A_779 = arith.constant 0 : index
    %get3A_780 = arith.constant 0 : index
    %get3A_781 = vector.load %arg10[%get3A_778, %get3A_779, %get3A_780] : memref<9x128x256xf32, #tpu.memory_space<vmem>>, vector<1x128x256xf32>
    %get3A_782 = vector.shape_cast %get3A_781 : vector<1x128x256xf32> to vector<128x256xf32>
    %dot_general3A_783 = arith.constant dense<0.000000e+00> : vector<1024x256xf32>
    %dot_general3A_784 = tpu.matmul %concatenate3A_777, %get3A_782, %dot_general3A_783 {dimension_numbers = #tpu.dot_dimension_numbers<[1], [0], [0], [1], [0, 0, 1, 1], [], []>, transpose_lhs_hint = false} : vector<1024x128xf32>, vector<128x256xf32>, vector<1024x256xf32> -> vector<1024x256xf32>
    %add3A_785 = arith.addf %add3A_773, %dot_general3A_784 : vector<1024x256xf32>
    %slice3A_786 = vector.extract_strided_slice %max3A_654 {offsets = [33, 0], sizes = [991, 128], strides = [1, 1]} : vector<1024x128xf32> to vector<991x128xf32>
    %broadcast_in_dim3A_787 = arith.constant 0.000000e+00 : f32
    %broadcast_in_dim3A_788 = vector.broadcast %broadcast_in_dim3A_787 : f32 to vector<33x128xf32>
    %concatenate3A_789 = tpu.concatenate %slice3A_786, %broadcast_in_dim3A_788 in 0 : vector<991x128xf32>, vector<33x128xf32> -> vector<1024x128xf32>
    %ne3A_790 = arith.constant 31 : i32
    %ne3A_791 = vector.broadcast %ne3A_790 : i32 to vector<1024x1xi32>
    %ne3A_792 = arith.cmpi ne, %select_n3A_22, %ne3A_791 : vector<1024x1xi32>
    %jit3A_793 = arith.constant 0.000000e+00 : f32
    %broadcast_in_dim3A_794 = vector.shape_cast %ne3A_792 : vector<1024x1xi1> to vector<1024x1xi1>
    %broadcast_in_dim3A_795 = vector.broadcast %broadcast_in_dim3A_794 : vector<1024x1xi1> to vector<1024x128xi1>
    %broadcast_in_dim3A_796 = vector.broadcast %jit3A_793 : f32 to vector<1024x128xf32>
    %select_n3A_797 = arith.select %broadcast_in_dim3A_795, %concatenate3A_789, %broadcast_in_dim3A_796 : vector<1024x128xi1>, vector<1024x128xf32>
    %get3A_798 = arith.constant 8 : index
    %get3A_799 = arith.constant 0 : index
    %get3A_800 = arith.constant 0 : index
    %get3A_801 = vector.load %arg10[%get3A_798, %get3A_799, %get3A_800] : memref<9x128x256xf32, #tpu.memory_space<vmem>>, vector<1x128x256xf32>
    %get3A_802 = vector.shape_cast %get3A_801 : vector<1x128x256xf32> to vector<128x256xf32>
    %dot_general3A_803 = arith.constant dense<0.000000e+00> : vector<1024x256xf32>
    %dot_general3A_804 = tpu.matmul %select_n3A_797, %get3A_802, %dot_general3A_803 {dimension_numbers = #tpu.dot_dimension_numbers<[1], [0], [0], [1], [0, 0, 1, 1], [], []>, transpose_lhs_hint = false} : vector<1024x128xf32>, vector<128x256xf32>, vector<1024x256xf32> -> vector<1024x256xf32>
    %add3A_805 = arith.addf %add3A_785, %dot_general3A_804 : vector<1024x256xf32>
    %get3A_806 = arith.constant 0 : index
    %get3A_807 = arith.constant 0 : index
    %get3A_808 = vector.load %arg11[%get3A_806, %get3A_807] : memref<1x256xf32, #tpu.memory_space<vmem>>, vector<1x256xf32>
    %add3A_809 = vector.broadcast %get3A_808 : vector<1x256xf32> to vector<1024x256xf32>
    %add3A_810 = arith.addf %add3A_805, %add3A_809 : vector<1024x256xf32>
    %add3A_811 = arith.addf %add3A_492, %add3A_810 : vector<1024x256xf32>
    %get3A_812 = arith.constant 0 : index
    %get3A_813 = arith.constant 0 : index
    %get3A_814 = vector.load %arg12[%get3A_812, %get3A_813] : memref<256x384xf32, #tpu.memory_space<vmem>>, vector<256x384xf32>
    %dot_general3A_815 = arith.constant dense<0.000000e+00> : vector<1024x384xf32>
    %dot_general3A_816 = tpu.matmul %add3A_811, %get3A_814, %dot_general3A_815 {dimension_numbers = #tpu.dot_dimension_numbers<[1], [0], [0], [1], [0, 0, 1, 1], [], []>, transpose_lhs_hint = false} : vector<1024x256xf32>, vector<256x384xf32>, vector<1024x384xf32> -> vector<1024x384xf32>
    %get3A_817 = arith.constant 0 : index
    %get3A_818 = arith.constant 0 : index
    %get3A_819 = vector.load %arg13[%get3A_817, %get3A_818] : memref<1x384xf32, #tpu.memory_space<vmem>>, vector<1x384xf32>
    %add3A_820 = vector.broadcast %get3A_819 : vector<1x384xf32> to vector<1024x384xf32>
    %add3A_821 = arith.addf %dot_general3A_816, %add3A_820 : vector<1024x384xf32>
    %reduce_sum3A = arith.constant dense<0.000000e+00> : vector<1024xf32>
    %reduce_sum3A_822 = vector.multi_reduction <add>, %add3A_821, %reduce_sum3A [1] : vector<1024x384xf32> to vector<1024xf32>
    %broadcast_in_dim3A_823 = vector.shape_cast %reduce_sum3A_822 : vector<1024xf32> to vector<1024x1xf32>
    %div3A = arith.constant 3.840000e+02 : f32
    %div3A_824 = vector.broadcast %div3A : f32 to vector<1024x1xf32>
    %div3A_825 = arith.divf %broadcast_in_dim3A_823, %div3A_824 : vector<1024x1xf32>
    %sub3A = vector.broadcast %div3A_825 : vector<1024x1xf32> to vector<1024x384xf32>
    %sub3A_826 = arith.subf %add3A_821, %sub3A : vector<1024x384xf32>
    %mul3A = arith.mulf %sub3A_826, %sub3A_826 : vector<1024x384xf32>
    %reduce_sum3A_827 = arith.constant dense<0.000000e+00> : vector<1024xf32>
    %reduce_sum3A_828 = vector.multi_reduction <add>, %mul3A, %reduce_sum3A_827 [1] : vector<1024x384xf32> to vector<1024xf32>
    %broadcast_in_dim3A_829 = vector.shape_cast %reduce_sum3A_828 : vector<1024xf32> to vector<1024x1xf32>
    %div3A_830 = arith.constant 3.840000e+02 : f32
    %div3A_831 = vector.broadcast %div3A_830 : f32 to vector<1024x1xf32>
    %div3A_832 = arith.divf %broadcast_in_dim3A_829, %div3A_831 : vector<1024x1xf32>
    %add3A_833 = arith.constant 9.99999997E-7 : f32
    %add3A_834 = vector.broadcast %add3A_833 : f32 to vector<1024x1xf32>
    %add3A_835 = arith.addf %div3A_832, %add3A_834 : vector<1024x1xf32>
    %sqrt3A = math.sqrt %add3A_835 : vector<1024x1xf32>
    %div3A_836 = vector.broadcast %sqrt3A : vector<1024x1xf32> to vector<1024x384xf32>
    %div3A_837 = arith.divf %sub3A_826, %div3A_836 : vector<1024x384xf32>
    %get3A_838 = arith.constant 0 : index
    %get3A_839 = arith.constant 0 : index
    %get3A_840 = vector.load %arg14[%get3A_838, %get3A_839] : memref<1x384xf32, #tpu.memory_space<vmem>>, vector<1x384xf32>
    %mul3A_841 = vector.broadcast %get3A_840 : vector<1x384xf32> to vector<1024x384xf32>
    %mul3A_842 = arith.mulf %div3A_837, %mul3A_841 : vector<1024x384xf32>
    %get3A_843 = arith.constant 0 : index
    %get3A_844 = arith.constant 0 : index
    %get3A_845 = vector.load %arg15[%get3A_843, %get3A_844] : memref<1x384xf32, #tpu.memory_space<vmem>>, vector<1x384xf32>
    %add3A_846 = vector.broadcast %get3A_845 : vector<1x384xf32> to vector<1024x384xf32>
    %add3A_847 = arith.addf %mul3A_842, %add3A_846 : vector<1024x384xf32>
    %transpose3A_848 = tpu.transpose %add3A_847, [1, 0] : vector<1024x384xf32> -> vector<384x1024xf32>
    %swap3A_849 = arith.constant 0 : index
    %swap3A_850 = arith.constant 0 : index
    %swap3A_851 = arith.constant 0 : index
    %swap3A_852 = vector.load %arg16[%swap3A_849, %swap3A_850, %swap3A_851] : memref<1x384x1024xf32, #tpu.memory_space<vmem>>, vector<1x384x1024xf32>
    %swap3A_853 = vector.shape_cast %swap3A_852 : vector<1x384x1024xf32> to vector<384x1024xf32>
    %swap3A_854 = vector.shape_cast %transpose3A_848 : vector<384x1024xf32> to vector<1x384x1024xf32>
    tpu.vector_store %arg16[%swap3A_849, %swap3A_850, %swap3A_851], %swap3A_854 {strides = array<i32>} : memref<1x384x1024xf32, #tpu.memory_space<vmem>>, vector<1x384x1024xf32>,
    return
  }
  func.func @transform_0(%arg0: i32) -> (i32, i32, i32) {
    %c0_i32 = arith.constant 0 : i32
    %c0_i32_0 = arith.constant 0 : i32
    %c0_i32_1 = arith.constant 0 : i32
    return %arg0, %c0_i32, %c0_i32_0 : i32, i32, i32
  }
  func.func @transform_1(%arg0: i32) -> (i32, i32, i32) {
    %c0_i32 = arith.constant 0 : i32
    %c0_i32_0 = arith.constant 0 : i32
    %c0_i32_1 = arith.constant 0 : i32
    %c0_i32_2 = arith.constant 0 : i32
    return %c0_i32, %c0_i32_0, %c0_i32_1 : i32, i32, i32
  }
  func.func @transform_2(%arg0: i32) -> (i32, i32) {
    %c0_i32 = arith.constant 0 : i32
    %c0_i32_0 = arith.constant 0 : i32
    %c0_i32_1 = arith.constant 0 : i32
    return %c0_i32, %c0_i32_0 : i32, i32
  }
  func.func @transform_3(%arg0: i32) -> (i32, i32, i32) {
    %c0_i32 = arith.constant 0 : i32
    %c0_i32_0 = arith.constant 0 : i32
    %c0_i32_1 = arith.constant 0 : i32
    %c0_i32_2 = arith.constant 0 : i32
    return %c0_i32, %c0_i32_0, %c0_i32_1 : i32, i32, i32
  }
  func.func @transform_4(%arg0: i32) -> (i32, i32) {
    %c0_i32 = arith.constant 0 : i32
    %c0_i32_0 = arith.constant 0 : i32
    %c0_i32_1 = arith.constant 0 : i32
    return %c0_i32, %c0_i32_0 : i32, i32
  }
  func.func @transform_5(%arg0: i32) -> (i32, i32, i32) {
    %c0_i32 = arith.constant 0 : i32
    %c0_i32_0 = arith.constant 0 : i32
    %c0_i32_1 = arith.constant 0 : i32
    %c0_i32_2 = arith.constant 0 : i32
    return %c0_i32, %c0_i32_0, %c0_i32_1 : i32, i32, i32
  }
  func.func @transform_6(%arg0: i32) -> (i32, i32) {
    %c0_i32 = arith.constant 0 : i32
    %c0_i32_0 = arith.constant 0 : i32
    %c0_i32_1 = arith.constant 0 : i32
    return %c0_i32, %c0_i32_0 : i32, i32
  }
  func.func @transform_7(%arg0: i32) -> (i32, i32, i32) {
    %c0_i32 = arith.constant 0 : i32
    %c0_i32_0 = arith.constant 0 : i32
    %c0_i32_1 = arith.constant 0 : i32
    %c0_i32_2 = arith.constant 0 : i32
    return %c0_i32, %c0_i32_0, %c0_i32_1 : i32, i32, i32
  }
  func.func @transform_8(%arg0: i32) -> (i32, i32) {
    %c0_i32 = arith.constant 0 : i32
    %c0_i32_0 = arith.constant 0 : i32
    %c0_i32_1 = arith.constant 0 : i32
    return %c0_i32, %c0_i32_0 : i32, i32
  }
  func.func @transform_9(%arg0: i32) -> (i32, i32, i32) {
    %c0_i32 = arith.constant 0 : i32
    %c0_i32_0 = arith.constant 0 : i32
    %c0_i32_1 = arith.constant 0 : i32
    %c0_i32_2 = arith.constant 0 : i32
    return %c0_i32, %c0_i32_0, %c0_i32_1 : i32, i32, i32
  }
  func.func @transform_10(%arg0: i32) -> (i32, i32) {
    %c0_i32 = arith.constant 0 : i32
    %c0_i32_0 = arith.constant 0 : i32
    %c0_i32_1 = arith.constant 0 : i32
    return %c0_i32, %c0_i32_0 : i32, i32
  }
  func.func @transform_11(%arg0: i32) -> (i32, i32) {
    %c0_i32 = arith.constant 0 : i32
    %c0_i32_0 = arith.constant 0 : i32
    %c0_i32_1 = arith.constant 0 : i32
    return %c0_i32, %c0_i32_0 : i32, i32
  }
  func.func @transform_12(%arg0: i32) -> (i32, i32) {
    %c0_i32 = arith.constant 0 : i32
    %c0_i32_0 = arith.constant 0 : i32
    %c0_i32_1 = arith.constant 0 : i32
    return %c0_i32, %c0_i32_0 : i32, i32
  }
  func.func @transform_13(%arg0: i32) -> (i32, i32) {
    %c0_i32 = arith.constant 0 : i32
    %c0_i32_0 = arith.constant 0 : i32
    %c0_i32_1 = arith.constant 0 : i32
    return %c0_i32, %c0_i32_0 : i32, i32
  }
  func.func @transform_14(%arg0: i32) -> (i32, i32) {
    %c0_i32 = arith.constant 0 : i32
    %c0_i32_0 = arith.constant 0 : i32
    %c0_i32_1 = arith.constant 0 : i32
    return %c0_i32, %c0_i32_0 : i32, i32
  }
  func.func @transform_15(%arg0: i32) -> (i32, i32, i32) {
    %c0_i32 = arith.constant 0 : i32
    %c0_i32_0 = arith.constant 0 : i32
    %c0_i32_1 = arith.constant 0 : i32
    return %arg0, %c0_i32, %c0_i32_0 : i32, i32, i32
  }
  func.func @transform_16(%arg0: i32) -> (i32, i32, i32) {
    %c0_i32 = arith.constant 0 : i32
    %c0_i32_0 = arith.constant 0 : i32
    %c0_i32_1 = arith.constant 0 : i32
    return %arg0, %c0_i32, %c0_i32_0 : i32, i32, i32
  }
}

</mosaic_0001>

<sc_bundles>
// kernel: kernel.6.cloned.1.call-start
scs
__scs_entry_jumppad:
0x0: {  	(pc) =	sbr.rel $0x88, $3  }
0x1: {  	(tag) =	ssettag $0x0;
	lr =	simm.s32 $0x1  }
0x2: {  	[smem:$0x3F91] =	sst lr;
	_ =	strace $0xD0000000  }
0x3: {  	_ = 	snop  }
0x4: {  	_ = 	snop  }
0x5: {  	_ = 	snop  }
0x6: {  	_ = 	snop  }
0x7: {  	_ = 	snop  }
__scs_overlays_trampoline_lowered:
0x8: {  	[smem:$0x3FA0] =	sst s0  }
0x9: {  	[smem:$0x3FA1] =	sst s1  }
0xa: {  	[smem:$0x3FA2] =	sst s2  }
0xb: {  	[smem:$0x3FA3] =	sst s3  }
0xc: {  	[smem:$0x3FA4] =	sst s4  }
0xd: {  	[smem:$0x3FA5] =	sst s5  }
0xe: {  	[smem:$0x3FA6] =	sst s6  }
0xf: {  	[smem:$0x3FA7] =	sst s7  }
0x10: {  	[smem:$0x3FA8] =	sst s8  }
0x11: {  	[smem:$0x3FA9] =	sst s9;
	s0 =	simm.s32 @!p0 $0x0  }
0x12: {  	s1 =	sld [smem:$0x3F8F];
	s0 =	simm.s32 @p0 $0x1  }
0x13: {  	[smem:$0x3FAA] =	sst s0;
	s0 =	simm.s32 @!p1 $0x0  }
0x14: {  	s2 =	sld [smem:$0x3F8E];
	s0 =	simm.s32 @p1 $0x1  }
0x15: {  	[smem:$0x3FAB] =	sst s0;
	s0 =	simm.s32 @!p2 $0x0  }
0x16: {  	s3 =	sld [smem:$0x3FDB];
	s0 =	simm.s32 @p2 $0x1  }
0x17: {  	s4 =	simm.s32 $0x1BF5;
	[smem:$0x3FAD] =	sst s0  }
0x18: {  	s0 =	sld [smem:$0x3F90];
	_ =	swait.ge [sflag:s4], $0x0  }
0x19: {  	s7 =	sld [smem:$0x3F91]  }
0x1a: {  	s8 =	sadd.s32 $0xFFFFE003, lr  }
0x1b: {  	s9 =	sadd.s32 $0xFFFFFEF7, lr;
	s5 =	simm.s32 $0xFFFFFFFF;
	p2 =	slt.u32 s8, $0xFFFFF086  }
0x1c: {  	p1 =	slt.u32 s9, $0xF7A;
	s5 =	simm.s32 @!p2 $0x0  }
0x1d: {  	s5 =	simm.s32 @p1 $0x1;
	p0 =	seq.s32 s7, s2  }
0x1e: {  	s7 =	smul.u32 @!p0 $0xF7A, s2;
	p2 =	seq.s32 @!p0 s5, $0x0  }
0x1f: {  	s9 =	smul.u32 $0xF7A, s1;
	s8 =	simm.s32 @!p0 $0x1BF5;
	p2 =	por !p2, p0  }
0x20: {  	[sflag:s8] =	ssyncset.s32 @!p0 $0xFFFFF086;
	s6 =	sadd.s32 @!p0 s3, s7;
	s7 =	simm.s32 @!p0 $0x108  }
0x21: {  	s3 =	sadd.s32 s3, s9;
	s6 =	sadd.s32 @!p0 $0x88, s6;
	s7 =	simm.s32 @p2 $0x1082  }
0x22: {  	[simem:s7], [sflag:s8] =	dma.local @!p0 [hbm:s6], $0xF7A  }
0x23: {  	s9 =	sor.u32 $0xD0000000, s2;
	s6 =	simm.s32 $0x108;
	_ =	swait.ge @!p0 [sflag:s8], $0x0  }
0x24: {  	s3 =	sadd.s32 $0x88, s3;
	s6 =	simm.s32 @!p1 $0x1082;
	[sflag:s4] =	ssyncset.s32 $0xFFFFF086  }
0x25: {  	[simem:s6], [sflag:s4] =	dma.local [hbm:s3], $0xF7A  }
0x26: {  	[smem:$0x3F91] =	sst s1;
	(tag) =	ssettag s2;
	_ =	strace s9  }
0x27: {  	s1 =	sld [smem:$0x3FA1]  }
0x28: {  	s2 =	sld [smem:$0x3FA2]  }
0x29: {  	s4 =	sld [smem:$0x3FA4]  }
0x2a: {  	p0 =	seq.s32 s5, $0x0;
	s5 =	sld [smem:$0x3FA5]  }
0x2b: {  	s6 =	sld [smem:$0x3FA6]  }
0x2c: {  	s7 =	sld [smem:$0x3FA7]  }
0x2d: {  	s3 =	simm.s32 $0x108;
	s8 =	sld [smem:$0x3FA8]  }
0x2e: {  	s3 =	simm.s32 @!p0 $0x1082;
	s9 =	sld [smem:$0x3FA9]  }
0x2f: {  	lr =	sadd.s32 s0, s3;
	s0 =	sld [smem:$0x3FA0]  }
0x30: {  	s3 =	sld [smem:$0x3FA3]  }
0x31: {  	[smem:$0x3FAC] =	sst s10  }
0x32: {  	s10 =	sld [smem:$0x3FAA];
	_ =	sdelay $0x3  }
0x33: {  	p0 =	seq.s32 s10, $0x1;
	s10 =	sld [smem:$0x3FAC];
	_ =	sdelay $0x3  }
0x34: {  	[smem:$0x3FAC] =	sst s10  }
0x35: {  	s10 =	sld [smem:$0x3FAB];
	_ =	sdelay $0x3  }
0x36: {  	p1 =	seq.s32 s10, $0x1;
	s10 =	sld [smem:$0x3FAC];
	_ =	sdelay $0x3  }
0x37: {  	[smem:$0x3FAC] =	sst s10  }
0x38: {  	s10 =	sld [smem:$0x3FAD]  }
0x39: {  	_ = 	snop;
	(pc) =	sbr.ind lr, $3  }
0x3a: {  	_ = 	snop  }
0x3b: {  	_ = 	snop  }
0x3c: {  	p2 =	seq.s32 s10, $0x1;
	s10 =	sld [smem:$0x3FAC]  }
0x3d: {  	_ =	shalt  }
0x3e: {  	_ =	shalt  }
0x3f: {  	_ =	shalt  }
0x40: {  	_ =	shalt  }
0x41: {  	_ =	shalt  }
0x42: {  	_ =	shalt  }
0x43: {  	_ =	shalt  }
0x44: {  	_ =	shalt  }
0x45: {  	_ =	shalt  }
0x46: {  	_ =	shalt  }
0x47: {  	_ =	shalt  }
0x48: {  	_ =	shalt  }
0x49: {  	_ =	shalt  }
0x4a: {  	_ =	shalt  }
0x4b: {  	_ =	shalt  }
0x4c: {  	_ =	shalt  }
0x4d: {  	_ =	shalt  }
0x4e: {  	_ =	shalt  }
0x4f: {  	_ =	shalt  }
0x50: {  	_ =	shalt  }
0x51: {  	_ =	shalt  }
0x52: {  	_ =	shalt  }
0x53: {  	_ =	shalt  }
0x54: {  	_ =	shalt  }
0x55: {  	_ =	shalt  }
0x56: {  	_ =	shalt  }
0x57: {  	_ =	shalt  }
0x58: {  	_ =	shalt  }
0x59: {  	_ =	shalt  }
0x5a: {  	_ =	shalt  }
0x5b: {  	_ =	shalt  }
0x5c: {  	_ =	shalt  }
0x5d: {  	_ =	shalt  }
0x5e: {  	_ =	shalt  }
0x5f: {  	_ =	shalt  }
0x60: {  	_ =	shalt  }
0x61: {  	_ =	shalt  }
0x62: {  	_ =	shalt  }
0x63: {  	_ =	shalt  }
0x64: {  	_ =	shalt  }
0x65: {  	_ =	shalt  }
0x66: {  	_ =	shalt  }
0x67: {  	_ =	shalt  }
0x68: {  	_ =	shalt  }
0x69: {  	_ =	shalt  }
0x6a: {  	_ =	shalt  }
0x6b: {  	_ =	shalt  }
0x6c: {  	_ =	shalt  }
0x6d: {  	_ =	shalt  }
0x6e: {  	_ =	shalt  }
0x6f: {  	_ =	shalt  }
0x70: {  	_ =	shalt  }
0x71: {  	_ =	shalt  }
0x72: {  	_ =	shalt  }
0x73: {  	_ =	shalt  }
0x74: {  	_ =	shalt  }
0x75: {  	_ =	shalt  }
0x76: {  	_ =	shalt  }
0x77: {  	_ =	shalt  }
0x78: {  	_ =	shalt  }
0x79: {  	_ =	shalt  }
0x7a: {  	_ =	shalt  }
0x7b: {  	_ =	shalt  }
0x7c: {  	_ =	shalt  }
0x7d: {  	_ =	shalt  }
0x7e: {  	_ =	shalt  }
0x7f: {  	_ =	shalt  }
0x80: {  	_ =	shalt  }
0x81: {  	_ =	shalt  }
0x82: {  	_ =	shalt  }
0x83: {  	_ =	shalt  }
0x84: {  	_ =	shalt  }
0x85: {  	_ =	shalt  }
0x86: {  	_ =	shalt  }
0x87: {  	_ =	shalt  }
.Lfunc_end0:
.L_simem_size_0:
called_computation_lowered:
.L_overlay_start_0:
0x88: {  	s2 =	sld [smem:$0x3FD9]  }
0x89: {  	s3 =	sld [smem:$0x3FFE];
	_ =	sdelay $0x1  }
0x8a: {  	s1 =	srdreg.scid  }
0x8b: {  	s0 =	sand.u32 $0x1, s1  }
0x8c: {  	s14 =	sshll.u32 s0, $0xA;
	s2 =	sadd.s32 s3, s2  }
0x8d: {  	s2 =	sadd.s32 s2, s14  }
0x8e: {  	[smem:$0x3FB8] =	sst s2  }
0x8f: {  	_ = 	snop  }
0x90: {  	s2 =	sld [smem:$0x3FD0];
	_ =	sdelay $0x2  }
0x91: {  	s15 =	simm.s32 $0xA;
	s4 =	simm.s32 $0x10  }
0x92: {  	[smem:s4], [sflag:s15] =	dma.local [hbm:s2], $0x1  }
0x93: {  	_ =	swait.eq [sflag:s15], $0x1  }
0x94: {  	[sflag:s15] =	ssyncset.done $0x0  }
0x95: {  	[sflag:s15] =	ssyncadd.s32 $0xFFFFFFFF  }
0x96: {  	s16 =	sld [smem:$0x10];
	(tm) =	ssettm $0x1  }
0x97: {  	s17 =	sld [smem:$0x3FFB];
	_ =	sdelay $0x3  }
0x98: {  	_ =	strace s17  }
0x99: {  	s3 =	sld [smem:$0x3FFC];
	_ =	sdelay $0x3  }
0x9a: {  	_ =	strace s3  }
0x9b: {  	s3 =	sld [smem:$0x3FFD];
	_ =	sdelay $0x3  }
0x9c: {  	_ =	strace s3  }
0x9d: {  	_ =	strace $0x8FFFFFFF  }
0x9e: {  	s18 =	sld [smem:$0x3FDB];
	_ =	sdelay $0x1  }
0x9f: {  	s19 =	simm.s32 $_scs_section_size  }
0xa0: {  	s5 =	simm.s32 $_size__tile_overlayer_lowered;
	s6 =	simm.s32 $_tile_overlayer_lowered  }
0xa1: {  	s22 =	simm.s32 $0x1BFF;
	s21 =	sshll.u32 s6, $0x1;
	s3 =	sadd.s32 s19, s18  }
0xa2: {  	s7 =	simm.s32 $0x0;
	s20 =	sshll.u32 s5, $0x1;
	s5 =	sadd.s32 s21, s3  }
0xa3: {  	[timem:s7], [sflag:s22] =	dma.local [hbm:s5], s20  }
0xa4: {  	_ =	swait.ge [sflag:s22], s20  }
0xa5: {  	s4 =	ssub.s32 $0x0, s20;
	[sflag:s22] =	ssyncset.done $0x0  }
0xa6: {  	[sflag:s22] =	ssyncadd.s32 s4;
	_ =	sdelay $0x1  }
0xa7: {  	s23 =	simm.s32 $0x1B8B  }
0xa8: {  	_ =	swait.ge [sflag:s23], $0x1  }
0xa9: {  	[sflag:s23] =	ssyncset.done $0x0  }
0xaa: {  	s25 =	simm.s32 $0x1B8E;
	s24 =	sld [smem:$0x3FFE];
	[sflag:s23] =	ssyncadd.s32 $0xFFFFFFFF  }
0xab: {  	s26 =	simm.s32 $execute0_lowered;
	[smem:$0x3FD2] =	sst s25  }
0xac: {  	s5 =	sshll.u32 s26, $0x1;
	_ =	strace $0x80000046;
	[dreg:$0x1] =	wrdreg $0xFFFFFFFF  }
0xad: {  	s28 =	simm.s32 $_size_execute0_lowered;
	s3 =	sadd.s32 s3, s5;
	[dreg:$0x0] =	wrdreg $0x0  }
0xae: {  	s5 =	sshll.u32 s28, $0x1;
	[dreg:$0x2] =	wrdreg s3  }
0xaf: {  	[dreg:$0x3] =	wrdreg s5  }
0xb0: {  	[dreg:$0x4] =	wrdreg $0xC0  }
0xb1: {  	_ =	task [dreg:s7], $0x5FFFF  }
0xb2: {  	[dreg:$0x1] =	wrdreg $0xFFFFFFFF  }
0xb3: {  	[dreg:$0x0] =	wrdreg $0x60  }
0xb4: {  	[dreg:$0x2] =	wrdreg s16  }
0xb5: {  	[dreg:$0x3] =	wrdreg s24  }
0xb6: {  	[dreg:$0x4] =	wrdreg $0x9  }
0xb7: {  	_ =	task.clear_ibuf [dreg:s7], $0x5FFFF;
	_ =	strace $0x90000046  }
0xb8: {  	s29 =	simm.s32 $0x9;
	_ =	strace $0x80000048  }
0xb9: {  	_ =	swait.ge [sflag:s29], $0x1  }
0xba: {  	[sflag:s29] =	ssyncadd.s32 $0xFFFFFFFF  }
0xbb: {  	_ =	strace $0x90000048  }
0xbc: {  	_ =	sfence  }
0xbd: {  	s30 =	sld [smem:$0x0];
	_ =	sdelay $0x2  }
0xbe: {  	s31 =	sshll.u32 s1, $0xD;
	s1 =	sshrl.u32 s1, $0x2  }
0xbf: {  	s3 =	sand.u32 $0x4000, s31;
	s1 =	sadd.s32 s1, s30  }
0xc0: {  	s0 =	sor.u32 s3, s0;
	s1 =	sshll.u32 s1, $0x11  }
0xc1: {  	s0 =	sor.u32 s1, s0  }
0xc2: {  	s0 =	sadd.s32 $0x8F2B, s0  }
0xc3: {  	[sflag:s0] =	ssyncadd.remote.s32 $0x1  }
0xc4: {  	_ =	sfence.sel $0xFFFF  }
0xc5: {  	[dreg:$0x0] =	wrdreg $0xFFFFFFFF;
	(pc) =	sbr.abs _section_cstart, $3  }
0xc6: {  	[dreg:$0x1] =	wrdreg $0xFFFFFFFF  }
0xc7: {  	_ =	task.clear_ibuf [dreg:s7], $0x2FFFF;
	_ =	strace $0x9FFFFFFF  }
0xc8: {  	(tm) =	ssettm $0x7FFFFFFF  }
0xc9: {  	_ =	shalt  }
tec
execute0_lowered:
.L_overlay_start_1:
0x0: {  	(tag) =	ssettag $0x1  }
0x1: {  	s1 =	srdreg.scid  }
0x2: {  	s0 =	stileid.u32;
	s2 =	rddreg [dreg:$0x0]  }
0x3: {  	s5 =	rddreg [dreg:$0x1];
	s19 =	simm.s32 $0x900;
	s20 =	simm.s32 $0x1100  }
0x4: {  	s21 =	simm.s32 $0x1900;
	s23 =	simm.s32 $0x2100;
	s24 =	simm.s32 $0x2900  }
0x5: {  	s25 =	simm.s32 $0x3100;
	s26 =	simm.s32 $0x3900;
	s8 =	simm.s32 $0x4900  }
0x6: {  	s9 =	simm.s32 $0x5100;
	s10 =	simm.s32 $0x5900;
	s11 =	simm.s32 $0x6100  }
0x7: {  	s12 =	simm.s32 $0x6900;
	s13 =	simm.s32 $0x7100;
	s1 =	sand.u32 $0x1, s1  }
0x8: {  	s14 =	simm.s32 $0x7900;
	s3 =	sshll.u32 s0, $0x9;
	s4 =	sshll.u32 s1, $0x8  }
0x9: {  	s15 =	simm.s32 $0x8100;
	s4 =	sor.u32 s4, s3;
	s3 =	simm.s32 $0x0  }
0xa: {  	s16 =	simm.s32 $0x8900;
	s17 =	simm.s32 $0x9100;
	[smem:$0x7FF] =	sst s3  }
0xb: {  	s28 =	simm.s32 $0xE100;
	_ =	strace $0x80000047;
	[dreg:$0x5] =	wrdreg s19  }
0xc: {  	s29 =	simm.s32 $0xE900;
	s30 =	simm.s32 $0xF100;
	[dreg:$0x6] =	wrdreg s20  }
0xd: {  	s31 =	simm.s32 $0xF900;
	s1 =	ssub.s32 $0x2, s1;
	[dreg:$0x7] =	wrdreg s21  }
0xe: {  	s22 =	sshrl.u32 s1, $0x1;
	s6 =	sshrl.u32 s4, $0x3;
	[dreg:$0x8] =	wrdreg s23  }
0xf: {  	s4 =	sshll.u32 s4, $0x5;
	s1 =	ssub.s32 s1, s22;
	[dreg:$0x9] =	wrdreg s24  }
0x10: {  	s22 =	simm.s32 $0xB900;
	s6 =	sadd.s32 s6, s5;
	[dreg:$0xa] =	wrdreg s25  }
0x11: {  	s4 =	sadd.s32 s4, s5;
	s5 =	simm.s32 $0x2;
	[dreg:$0xb] =	wrdreg s26  }
0x12: {  	s19 =	simm.s32 $0xA100;
	s20 =	simm.s32 $0xA900;
	s21 =	simm.s32 $0xB100  }
0x13: {  	s23 =	simm.s32 $0xC100;
	s24 =	simm.s32 $0xC900;
	s18 =	sadd.s32 $0x804200, s6  }
0x14: {  	v2 =	vlaneseq.u32;
	s25 =	simm.s32 $0xD100;
	s4 =	sadd.s32 $0x804600, s4;
	[dreg:$0x3] =	wrdreg s18  }
0x15: {  	vm0 =	vmmov $0xffff;
	v1 =	vshrl.u32 v2, $0x3;
	s26 =	simm.s32 $0xD900;
	s6 =	simm.s32 $0x100;
	[dreg:$0x4] =	wrdreg s4  }
0x16: {  	v0 =	vand.u32 $0x7, v2;
	v2 =	vor.u32 $0x8, v2;
	v1 =	vmul.u32 $0x8, v1;
	s4 =	smax.u32 s1, $0x1;
	s18 =	simm.s32 $0x9900;
	s1 =	simm.s32 $0x1  }
.LBB2_1:
0x17: {  	s0 =	rddreg [dreg:$0x3]  }
0x18: {  	[tilespmem:s3], [sflag:$0x2] =	stream.linear.gather [hbm4b:s0+s3], $0x100, $0x38;
	[tilespmem:$0x10100] =	vst v63  }
0x19: {  	_ =	swait.ge [sflag:s5], $0x100  }
0x1a: {  	[sflag:s5] =	ssyncset.done $0x0  }
0x1b: {  	[sflag:s5] =	ssyncadd.s32 $0xFFFFFF00  }
0x1c: {  	v3 =	vld [tilespmem:$0x0];
	_ =	sdelay $0x4  }
0x1d: {  	v4 =	vshll.u32 v3, $0x1  }
0x1e: {  	v3 =	vand.u32 $0x7, v3;
	v4 =	vand.u32 $0xFFFFFFF0, v4  }
0x1f: {  	v3 =	vor.u32 v3, v4  }
0x20: {  	v4 =	vperm.xlane v3, v0;
	_ =	sdelay $0x1  }
0x21: {  	v3 =	vperm.xlane v3, v2;
	v4 =	vadd.s32 v1, v4;
	_ =	sdelay $0x1  }
0x22: {  	v3 =	vadd.s32 v1, v3;
	_ =	sdelay $0x2  }
0x23: {  	[tilespmem:s6], [sflag:$0x1] =	stream.indirect_vreg.gather [hbm4b:s2+s3], $0x80, v4, vm0, $0xb8;
	[tilespmem:$0x10100] =	vst v63  }
0x24: {  	s7 =	rddreg [dreg:$0x5]  }
0x25: {  	[tilespmem:s7], [sflag:$0x1] =	stream.indirect_vreg.gather [hbm4b:s2+s3], $0x80, v3, vm0, $0xb8;
	[tilespmem:$0x10100] =	vst v63  }
0x26: {  	v3 =	vld [tilespmem:$0x10];
	_ =	sdelay $0x4  }
0x27: {  	v49 =	vshll.u32 v3, $0x1  }
0x28: {  	v3 =	vand.u32 $0x7, v3;
	v4 =	vand.u32 $0xFFFFFFF0, v49  }
0x29: {  	v3 =	vor.u32 v3, v4  }
0x2a: {  	v4 =	vperm.xlane v3, v0;
	_ =	sdelay $0x1  }
0x2b: {  	v3 =	vperm.xlane v3, v2;
	v4 =	vadd.s32 v1, v4;
	_ =	sdelay $0x1  }
0x2c: {  	v3 =	vadd.s32 v1, v3;
	_ =	sdelay $0x1  }
0x2d: {  	s0 =	rddreg [dreg:$0x6]  }
0x2e: {  	[tilespmem:s0], [sflag:$0x1] =	stream.indirect_vreg.gather [hbm4b:s2+s3], $0x80, v4, vm0, $0xb8;
	[tilespmem:$0x10100] =	vst v63  }
0x2f: {  	s7 =	rddreg [dreg:$0x7]  }
0x30: {  	[tilespmem:s7], [sflag:$0x1] =	stream.indirect_vreg.gather [hbm4b:s2+s3], $0x80, v3, vm0, $0xb8;
	[tilespmem:$0x10100] =	vst v63  }
0x31: {  	v3 =	vld [tilespmem:$0x20];
	_ =	sdelay $0x4  }
0x32: {  	v50 =	vshll.u32 v3, $0x1  }
0x33: {  	v3 =	vand.u32 $0x7, v3;
	v4 =	vand.u32 $0xFFFFFFF0, v50  }
0x34: {  	v3 =	vor.u32 v3, v4  }
0x35: {  	v4 =	vperm.xlane v3, v0;
	_ =	sdelay $0x1  }
0x36: {  	v3 =	vperm.xlane v3, v2;
	v4 =	vadd.s32 v1, v4;
	_ =	sdelay $0x1  }
0x37: {  	v3 =	vadd.s32 v1, v3;
	_ =	sdelay $0x1  }
0x38: {  	s0 =	rddreg [dreg:$0x8]  }
0x39: {  	[tilespmem:s0], [sflag:$0x1] =	stream.indirect_vreg.gather [hbm4b:s2+s3], $0x80, v4, vm0, $0xb8;
	[tilespmem:$0x10100] =	vst v63  }
0x3a: {  	s7 =	rddreg [dreg:$0x9]  }
0x3b: {  	[tilespmem:s7], [sflag:$0x1] =	stream.indirect_vreg.gather [hbm4b:s2+s3], $0x80, v3, vm0, $0xb8;
	[tilespmem:$0x10100] =	vst v63  }
0x3c: {  	v3 =	vld [tilespmem:$0x30];
	_ =	sdelay $0x4  }
0x3d: {  	v51 =	vshll.u32 v3, $0x1  }
0x3e: {  	v3 =	vand.u32 $0x7, v3;
	v4 =	vand.u32 $0xFFFFFFF0, v51  }
0x3f: {  	v3 =	vor.u32 v3, v4  }
0x40: {  	v4 =	vperm.xlane v3, v0;
	_ =	sdelay $0x1  }
0x41: {  	v3 =	vperm.xlane v3, v2;
	v4 =	vadd.s32 v1, v4;
	_ =	sdelay $0x1  }
0x42: {  	v3 =	vadd.s32 v1, v3;
	_ =	sdelay $0x1  }
0x43: {  	s0 =	rddreg [dreg:$0xa]  }
0x44: {  	[tilespmem:s0], [sflag:$0x1] =	stream.indirect_vreg.gather [hbm4b:s2+s3], $0x80, v4, vm0, $0xb8;
	[tilespmem:$0x10100] =	vst v63  }
0x45: {  	s7 =	rddreg [dreg:$0xb]  }
0x46: {  	[tilespmem:s7], [sflag:$0x1] =	stream.indirect_vreg.gather [hbm4b:s2+s3], $0x80, v3, vm0, $0xb8;
	[tilespmem:$0x10100] =	vst v63  }
0x47: {  	v3 =	vld [tilespmem:$0x40];
	_ =	sdelay $0x4  }
0x48: {  	v52 =	vshll.u32 v3, $0x1  }
0x49: {  	v3 =	vand.u32 $0x7, v3;
	v4 =	vand.u32 $0xFFFFFFF0, v52  }
0x4a: {  	v3 =	vor.u32 v3, v4  }
0x4b: {  	v4 =	vperm.xlane v3, v0;
	_ =	sdelay $0x1  }
0x4c: {  	v3 =	vperm.xlane v3, v2;
	v4 =	vadd.s32 v1, v4;
	_ =	sdelay $0x1  }
0x4d: {  	v3 =	vadd.s32 v1, v3;
	_ =	sdelay $0x1  }
0x4e: {  	s7 =	simm.s32 $0x4100  }
0x4f: {  	[tilespmem:s7], [sflag:$0x1] =	stream.indirect_vreg.gather [hbm4b:s2+s3], $0x80, v4, vm0, $0xb8;
	[tilespmem:$0x10100] =	vst v63  }
0x50: {  	_ = 	snop  }
0x51: {  	[tilespmem:s8], [sflag:$0x1] =	stream.indirect_vreg.gather [hbm4b:s2+s3], $0x80, v3, vm0, $0xb8;
	[tilespmem:$0x10100] =	vst v63  }
0x52: {  	v3 =	vld [tilespmem:$0x50];
	_ =	sdelay $0x4  }
0x53: {  	v53 =	vshll.u32 v3, $0x1  }
0x54: {  	v3 =	vand.u32 $0x7, v3;
	v4 =	vand.u32 $0xFFFFFFF0, v53  }
0x55: {  	v3 =	vor.u32 v3, v4  }
0x56: {  	v4 =	vperm.xlane v3, v0;
	_ =	sdelay $0x1  }
0x57: {  	v3 =	vperm.xlane v3, v2;
	v4 =	vadd.s32 v1, v4;
	_ =	sdelay $0x1  }
0x58: {  	v3 =	vadd.s32 v1, v3;
	_ =	sdelay $0x2  }
0x59: {  	[tilespmem:s9], [sflag:$0x1] =	stream.indirect_vreg.gather [hbm4b:s2+s3], $0x80, v4, vm0, $0xb8;
	[tilespmem:$0x10100] =	vst v63  }
0x5a: {  	_ = 	snop  }
0x5b: {  	[tilespmem:s10], [sflag:$0x1] =	stream.indirect_vreg.gather [hbm4b:s2+s3], $0x80, v3, vm0, $0xb8;
	[tilespmem:$0x10100] =	vst v63  }
0x5c: {  	v3 =	vld [tilespmem:$0x60];
	_ =	sdelay $0x4  }
0x5d: {  	v54 =	vshll.u32 v3, $0x1  }
0x5e: {  	v3 =	vand.u32 $0x7, v3;
	v4 =	vand.u32 $0xFFFFFFF0, v54  }
0x5f: {  	v3 =	vor.u32 v3, v4  }
0x60: {  	v4 =	vperm.xlane v3, v0;
	_ =	sdelay $0x1  }
0x61: {  	v3 =	vperm.xlane v3, v2;
	v4 =	vadd.s32 v1, v4;
	_ =	sdelay $0x1  }
0x62: {  	v3 =	vadd.s32 v1, v3;
	_ =	sdelay $0x2  }
0x63: {  	[tilespmem:s11], [sflag:$0x1] =	stream.indirect_vreg.gather [hbm4b:s2+s3], $0x80, v4, vm0, $0xb8;
	[tilespmem:$0x10100] =	vst v63  }
0x64: {  	_ = 	snop  }
0x65: {  	[tilespmem:s12], [sflag:$0x1] =	stream.indirect_vreg.gather [hbm4b:s2+s3], $0x80, v3, vm0, $0xb8;
	[tilespmem:$0x10100] =	vst v63  }
0x66: {  	v3 =	vld [tilespmem:$0x70];
	_ =	sdelay $0x4  }
0x67: {  	v55 =	vshll.u32 v3, $0x1  }
0x68: {  	v3 =	vand.u32 $0x7, v3;
	v4 =	vand.u32 $0xFFFFFFF0, v55  }
0x69: {  	v3 =	vor.u32 v3, v4  }
0x6a: {  	v4 =	vperm.xlane v3, v0;
	_ =	sdelay $0x1  }
0x6b: {  	v3 =	vperm.xlane v3, v2;
	v4 =	vadd.s32 v1, v4;
	_ =	sdelay $0x1  }
0x6c: {  	v3 =	vadd.s32 v1, v3;
	_ =	sdelay $0x2  }
0x6d: {  	[tilespmem:s13], [sflag:$0x1] =	stream.indirect_vreg.gather [hbm4b:s2+s3], $0x80, v4, vm0, $0xb8;
	[tilespmem:$0x10100] =	vst v63  }
0x6e: {  	_ = 	snop  }
0x6f: {  	[tilespmem:s14], [sflag:$0x1] =	stream.indirect_vreg.gather [hbm4b:s2+s3], $0x80, v3, vm0, $0xb8;
	[tilespmem:$0x10100] =	vst v63  }
0x70: {  	v3 =	vld [tilespmem:$0x80];
	_ =	sdelay $0x4  }
0x71: {  	v56 =	vshll.u32 v3, $0x1  }
0x72: {  	v3 =	vand.u32 $0x7, v3;
	v4 =	vand.u32 $0xFFFFFFF0, v56  }
0x73: {  	v3 =	vor.u32 v3, v4  }
0x74: {  	v4 =	vperm.xlane v3, v0;
	_ =	sdelay $0x1  }
0x75: {  	v3 =	vperm.xlane v3, v2;
	v4 =	vadd.s32 v1, v4;
	_ =	sdelay $0x1  }
0x76: {  	v3 =	vadd.s32 v1, v3;
	_ =	sdelay $0x2  }
0x77: {  	[tilespmem:s15], [sflag:$0x1] =	stream.indirect_vreg.gather [hbm4b:s2+s3], $0x80, v4, vm0, $0xb8;
	[tilespmem:$0x10100] =	vst v63  }
0x78: {  	_ = 	snop  }
0x79: {  	[tilespmem:s16], [sflag:$0x1] =	stream.indirect_vreg.gather [hbm4b:s2+s3], $0x80, v3, vm0, $0xb8;
	[tilespmem:$0x10100] =	vst v63  }
0x7a: {  	v3 =	vld [tilespmem:$0x90];
	_ =	sdelay $0x4  }
0x7b: {  	v57 =	vshll.u32 v3, $0x1  }
0x7c: {  	v3 =	vand.u32 $0x7, v3;
	v4 =	vand.u32 $0xFFFFFFF0, v57  }
0x7d: {  	v3 =	vor.u32 v3, v4  }
0x7e: {  	v4 =	vperm.xlane v3, v0;
	_ =	sdelay $0x1  }
0x7f: {  	v3 =	vperm.xlane v3, v2;
	v4 =	vadd.s32 v1, v4;
	_ =	sdelay $0x1  }
0x80: {  	v3 =	vadd.s32 v1, v3;
	_ =	sdelay $0x2  }
0x81: {  	[tilespmem:s17], [sflag:$0x1] =	stream.indirect_vreg.gather [hbm4b:s2+s3], $0x80, v4, vm0, $0xb8;
	[tilespmem:$0x10100] =	vst v63  }
0x82: {  	_ = 	snop  }
0x83: {  	[tilespmem:s18], [sflag:$0x1] =	stream.indirect_vreg.gather [hbm4b:s2+s3], $0x80, v3, vm0, $0xb8;
	[tilespmem:$0x10100] =	vst v63  }
0x84: {  	v3 =	vld [tilespmem:$0xA0];
	_ =	sdelay $0x4  }
0x85: {  	v58 =	vshll.u32 v3, $0x1  }
0x86: {  	v3 =	vand.u32 $0x7, v3;
	v4 =	vand.u32 $0xFFFFFFF0, v58  }
0x87: {  	v3 =	vor.u32 v3, v4  }
0x88: {  	v4 =	vperm.xlane v3, v0;
	_ =	sdelay $0x1  }
0x89: {  	v3 =	vperm.xlane v3, v2;
	v4 =	vadd.s32 v1, v4;
	_ =	sdelay $0x1  }
0x8a: {  	v3 =	vadd.s32 v1, v3;
	_ =	sdelay $0x2  }
0x8b: {  	[tilespmem:s19], [sflag:$0x1] =	stream.indirect_vreg.gather [hbm4b:s2+s3], $0x80, v4, vm0, $0xb8;
	[tilespmem:$0x10100] =	vst v63  }
0x8c: {  	_ = 	snop  }
0x8d: {  	[tilespmem:s20], [sflag:$0x1] =	stream.indirect_vreg.gather [hbm4b:s2+s3], $0x80, v3, vm0, $0xb8;
	[tilespmem:$0x10100] =	vst v63  }
0x8e: {  	v3 =	vld [tilespmem:$0xB0];
	_ =	sdelay $0x4  }
0x8f: {  	v59 =	vshll.u32 v3, $0x1  }
0x90: {  	v3 =	vand.u32 $0x7, v3;
	v4 =	vand.u32 $0xFFFFFFF0, v59  }
0x91: {  	v3 =	vor.u32 v3, v4  }
0x92: {  	v4 =	vperm.xlane v3, v0;
	_ =	sdelay $0x1  }
0x93: {  	v3 =	vperm.xlane v3, v2;
	v4 =	vadd.s32 v1, v4;
	_ =	sdelay $0x1  }
0x94: {  	v3 =	vadd.s32 v1, v3;
	_ =	sdelay $0x2  }
0x95: {  	[tilespmem:s21], [sflag:$0x1] =	stream.indirect_vreg.gather [hbm4b:s2+s3], $0x80, v4, vm0, $0xb8;
	[tilespmem:$0x10100] =	vst v63  }
0x96: {  	_ = 	snop  }
0x97: {  	[tilespmem:s22], [sflag:$0x1] =	stream.indirect_vreg.gather [hbm4b:s2+s3], $0x80, v3, vm0, $0xb8;
	[tilespmem:$0x10100] =	vst v63  }
0x98: {  	v3 =	vld [tilespmem:$0xC0];
	_ =	sdelay $0x4  }
0x99: {  	v60 =	vshll.u32 v3, $0x1  }
0x9a: {  	v3 =	vand.u32 $0x7, v3;
	v4 =	vand.u32 $0xFFFFFFF0, v60  }
0x9b: {  	v3 =	vor.u32 v3, v4  }
0x9c: {  	v4 =	vperm.xlane v3, v0;
	_ =	sdelay $0x1  }
0x9d: {  	v3 =	vperm.xlane v3, v2;
	v4 =	vadd.s32 v1, v4;
	_ =	sdelay $0x1  }
0x9e: {  	v3 =	vadd.s32 v1, v3;
	_ =	sdelay $0x2  }
0x9f: {  	[tilespmem:s23], [sflag:$0x1] =	stream.indirect_vreg.gather [hbm4b:s2+s3], $0x80, v4, vm0, $0xb8;
	[tilespmem:$0x10100] =	vst v63  }
0xa0: {  	_ = 	snop  }
0xa1: {  	[tilespmem:s24], [sflag:$0x1] =	stream.indirect_vreg.gather [hbm4b:s2+s3], $0x80, v3, vm0, $0xb8;
	[tilespmem:$0x10100] =	vst v63  }
0xa2: {  	v3 =	vld [tilespmem:$0xD0];
	_ =	sdelay $0x4  }
0xa3: {  	v61 =	vshll.u32 v3, $0x1  }
0xa4: {  	v3 =	vand.u32 $0x7, v3;
	v4 =	vand.u32 $0xFFFFFFF0, v61  }
0xa5: {  	v3 =	vor.u32 v3, v4  }
0xa6: {  	v4 =	vperm.xlane v3, v0;
	_ =	sdelay $0x1  }
0xa7: {  	v3 =	vperm.xlane v3, v2;
	v4 =	vadd.s32 v1, v4;
	_ =	sdelay $0x1  }
0xa8: {  	v3 =	vadd.s32 v1, v3;
	_ =	sdelay $0x2  }
0xa9: {  	[tilespmem:s25], [sflag:$0x1] =	stream.indirect_vreg.gather [hbm4b:s2+s3], $0x80, v4, vm0, $0xb8;
	[tilespmem:$0x10100] =	vst v63  }
0xaa: {  	_ = 	snop  }
0xab: {  	[tilespmem:s26], [sflag:$0x1] =	stream.indirect_vreg.gather [hbm4b:s2+s3], $0x80, v3, vm0, $0xb8;
	[tilespmem:$0x10100] =	vst v63  }
0xac: {  	v3 =	vld [tilespmem:$0xE0];
	_ =	sdelay $0x4  }
0xad: {  	v62 =	vshll.u32 v3, $0x1  }
0xae: {  	v3 =	vand.u32 $0x7, v3;
	v4 =	vand.u32 $0xFFFFFFF0, v62  }
0xaf: {  	v3 =	vor.u32 v3, v4  }
0xb0: {  	v4 =	vperm.xlane v3, v0;
	_ =	sdelay $0x1  }
0xb1: {  	v3 =	vperm.xlane v3, v2;
	v4 =	vadd.s32 v1, v4;
	_ =	sdelay $0x1  }
0xb2: {  	v3 =	vadd.s32 v1, v3;
	_ =	sdelay $0x2  }
0xb3: {  	[tilespmem:s28], [sflag:$0x1] =	stream.indirect_vreg.gather [hbm4b:s2+s3], $0x80, v4, vm0, $0xb8;
	[tilespmem:$0x10100] =	vst v63  }
0xb4: {  	_ = 	snop  }
0xb5: {  	[tilespmem:s29], [sflag:$0x1] =	stream.indirect_vreg.gather [hbm4b:s2+s3], $0x80, v3, vm0, $0xb8;
	[tilespmem:$0x10100] =	vst v63  }
0xb6: {  	v3 =	vld [tilespmem:$0xF0];
	_ =	sdelay $0x4  }
0xb7: {  	v63 =	vshll.u32 v3, $0x1  }
0xb8: {  	v3 =	vand.u32 $0x7, v3;
	v4 =	vand.u32 $0xFFFFFFF0, v63  }
0xb9: {  	v3 =	vor.u32 v3, v4  }
0xba: {  	v4 =	vperm.xlane v3, v0;
	_ =	sdelay $0x1  }
0xbb: {  	v3 =	vperm.xlane v3, v2;
	v4 =	vadd.s32 v1, v4;
	_ =	sdelay $0x1  }
0xbc: {  	v3 =	vadd.s32 v1, v3;
	_ =	sdelay $0x2  }
0xbd: {  	[tilespmem:s30], [sflag:$0x1] =	stream.indirect_vreg.gather [hbm4b:s2+s3], $0x80, v4, vm0, $0xb8;
	[tilespmem:$0x10100] =	vst v63  }
0xbe: {  	_ = 	snop  }
0xbf: {  	[tilespmem:s31], [sflag:$0x1] =	stream.indirect_vreg.gather [hbm4b:s2+s3], $0x80, v3, vm0, $0xb8;
	[tilespmem:$0x10100] =	vst v63  }
0xc0: {  	_ =	swait.ge [sflag:s1], $0x10000  }
0xc1: {  	p0 =	sne.s32 s4, $0x1;
	[sflag:s1] =	ssyncset.done $0x0  }
.Ltmp0:
0xc2: {  	s7 =	rddreg [dreg:$0x4];
	[sflag:s1] =	ssyncadd.s32 $0xFFFF0000;
	(pc) =	sbr.rel @p0 .LBB2_1-.Ltmp0, $4  }
0xc3: {  	[hbm4b:s7+s3] =	stream.linear.scatter [tilespmem:s6], [sflag:$0x2], $0x10000, $0x38;
	[tilespmem:$0x10100] =	vst v63  }
0xc4: {  	_ =	swait.ge [sflag:s5], $0x10000  }
0xc5: {  	[sflag:s5] =	ssyncset.done $0x0  }
0xc6: {  	s4 =	sadd.s32 $0xFFFFFFFF, s4;
	[sflag:s5] =	ssyncadd.s32 $0xFFFF0000  }
0xc7: {  	_ =	sfence.sel $0x180000  }
0xc8: {  	[bflag:$0x0] =	sbarrier.arrive $0xFFFF  }
0xc9: {  	_ =	strace $0x90000047  }
0xca: {  	s0 =	stileid.u32;
	[bflag:$0x2] =	sbarrier.arrive $0xFFFF  }
0xcb: {  	p0 =	sne.s32 s0, $0x0;
	s0 =	rddreg [dreg:$0x2]  }
0xcc: {  	s0 =	sadd.s32 @!p0 $0x100000, s0  }
0xcd: {  	[sflag:s0] =	ssyncadd.tile.s32 @!p0 $0x1;
	_ =	shalt  }
.Lfunc_end2:
_tile_overlayer_lowered:
.L_overlay_start_2:
0xce: {  	(tag) =	ssettag $0x2  }
0xcf: {  	s0 =	rddreg [dreg:$0x0];
	s2 =	stileid.u32  }
0xd0: {  	s1 =	rddreg [dreg:$0x1];
	p0 =	sne.s32 s2, $0x0  }
0xd1: {  	s3 =	rddreg [dreg:$0x2];
	[bflag:$0x3] =	sbarrier.arrive $0xFFFF;
	s2 =	simm.s32 @!p0 $0x1C02  }
0xd2: {  	[timem:s3], [sflag:s2] =	dma.local @!p0 [hbm:s0], s1  }
0xd3: {  	s0 =	simm.s32 @!p0 $0x2  }
0xd4: {  	_ =	swait.ge @!p0 [sflag:s0], s1  }
0xd5: {  	s1 =	ssub.s32 @!p0 $0x0, s1;
	[sflag:s0] =	ssyncset.done @!p0 $0x0  }
0xd6: {  	[sflag:s0] =	ssyncadd.s32 @!p0 s1  }
0xd7: {  	[bflag:$0x3] =	sbarrier.arrive $0xFFFF  }
0xd8: {  	_ =	shalt  }

</sc_bundles>
